<compile_context>
chip_gen: v7x
topology: tpu7x:2x2x1
jax: 0.10.2.dev20260603
libtpu: 0.0.44.dev20260713+nightly
codegen_flags: <defaults>
</compile_context>

<pallas_src>
import functools

import jax
import jax.numpy as jnp
from jax import lax
from jax.experimental import pallas as pl
from jax.experimental.pallas import tpu as pltpu
from jax.experimental.pallas import tpu_sc as plsc

N = 1000
C = 81
HW = 28 * 28
LANES = 16
NPAD = 1024

TC_SHEETS = 720
SC_SHEETS = HW - TC_SHEETS
SHEETS_PER_STEP = 48
TC_STEPS = TC_SHEETS // SHEETS_PER_STEP

NC = 2
NS = 16
NW = NC * NS
SC_UNITS = SC_SHEETS * 8
UPW = SC_UNITS // NW
RING = 4



def _tc_body(cid_ref, pred_ref, targ_ref, out_ref):
    step = pl.program_id(0)
    cid = cid_ref[...]
    x = pred_ref[...]
    z = targ_ref[...]

    c_iota = lax.broadcasted_iota(jnp.int32, (1, C, N), 1)
    onehot = cid[:, None, :] == c_iota
    y = jnp.sum(jnp.where(onehot, x, 0.0), axis=1)

    bce = jnp.maximum(y, 0.0) - y * z + jnp.log1p(jnp.exp(-jnp.abs(y)))
    wmask = (cid > 0).astype(jnp.float32)
    step_sum = jnp.sum(bce * wmask).reshape(1, 1)

    @pl.when(step == 0)
    def _():
        out_ref[...] = jnp.zeros_like(out_ref)

    out_ref[0:1, 0:1] += step_sum

    @pl.when(step == TC_STEPS - 1)
    def _():
        out_ref[0:1, 1:2] = jnp.sum(wmask).reshape(1, 1)



def _sc_body(cid_hbm, pred_hbm, targ_hbm, out_hbm,
             cid_v, pbufs, tbufs, stage_v, psems, tsems):
    c = lax.axis_index("c")
    s = lax.axis_index("s")
    wid = s * NC + c
    ubase = wid * UPW

    pltpu.sync_copy(cid_hbm.at[:], cid_v)
    lane = lax.iota(jnp.int32, LANES)

    def _issue(t, r):
        u = ubase + t
        sheet = TC_SHEETS + u // 8
        lt = u % 8
        pltpu.async_copy(
            pred_hbm.at[sheet, :, pl.ds(lt * 128, 128)], pbufs[r], psems[r])
        pltpu.async_copy(
            targ_hbm.at[sheet, pl.ds(lt * 128, 128)], tbufs[r], tsems[r])

    def _compute(t, r, acc):
        lt = (ubase + t) % 8

        def grp_body(g, a):
            cid16 = cid_v[pl.ds(lt * 128 + g * LANES, LANES)]
            x = plsc.load_gather(pbufs[r], [cid16, g * LANES + lane])
            z = tbufs[r][pl.ds(g * LANES, LANES)]
            w = jnp.where(cid16 > 0, 1.0, 0.0).astype(jnp.float32)
            e = jnp.exp(-jnp.abs(x))
            t_ = e / (2.0 + e)
            t2 = t_ * t_
            lg = t_ * (2.0 + t2 * (2.0 / 3.0 + t2 * (2.0 / 5.0 + t2 * (
                2.0 / 7.0 + t2 * (2.0 / 9.0)))))
            bce = jnp.maximum(x, 0.0) - x * z + lg
            return a + w * bce

        return lax.fori_loop(0, 8, grp_body, acc)

    for r in range(RING):
        _issue(r, r)

    def ring_body(k, acc):
        for r in range(RING):
            t = k * RING + r
            pltpu.make_async_copy(
                pred_hbm.at[TC_SHEETS, :, pl.ds(0, 128)],
                pbufs[r], psems[r]).wait()
            pltpu.make_async_copy(
                targ_hbm.at[TC_SHEETS, pl.ds(0, 128)],
                tbufs[r], tsems[r]).wait()
            acc = _compute(t, r, acc)

            @pl.when(t + RING < UPW)
            def _():
                _issue(t + RING, r)
        return acc

    acc = lax.fori_loop(0, UPW // RING, ring_body,
                        jnp.zeros((LANES,), jnp.float32))
    stage_v[...] = acc
    pltpu.sync_copy(stage_v, out_hbm.at[wid])


@functools.partial(
    pl.kernel,
    out_type=jax.ShapeDtypeStruct((NW, LANES), jnp.float32),
    mesh=plsc.VectorSubcoreMesh(core_axis_name="c", subcore_axis_name="s",
                                num_cores=NC, num_subcores=NS),
    compiler_params=pltpu.CompilerParams(needs_layout_passes=False,
                                         use_tc_tiling_on_sc=True),
    scratch_types=[
        pltpu.VMEM((NPAD,), jnp.int32),
        [pltpu.VMEM((C, 128), jnp.float32)] * RING,
        [pltpu.VMEM((128,), jnp.float32)] * RING,
        pltpu.VMEM((LANES,), jnp.float32),
        [pltpu.SemaphoreType.DMA] * RING,
        [pltpu.SemaphoreType.DMA] * RING,
    ],
)
def _sc_partials(cid_hbm, pred_hbm, targ_hbm, out_hbm, *scratch):
    _sc_body(cid_hbm, pred_hbm, targ_hbm, out_hbm, *scratch)



def _fin_body(tc_ref, sc_ref, o_ref):
    total = tc_ref[0, 0] + jnp.sum(sc_ref[...])
    npos = tc_ref[0, 1]
    denom = jnp.maximum(npos, 1.0) * float(HW)
    o_ref[...] = (total / denom).reshape(1, 1)


def kernel(target_masks, target_class_ids, pred_masks):
    cid = target_class_ids.astype(jnp.int32)
    cid2d = cid.reshape(1, N)
    cid_pad = jnp.zeros((NPAD,), jnp.int32).at[:N].set(cid)
    predt = jnp.transpose(pred_masks, (2, 3, 1, 0)).reshape(HW, C, N)
    targt = jnp.transpose(target_masks, (1, 2, 0)).reshape(HW, N)

    tc_out = pl.pallas_call(
        _tc_body,
        grid=(TC_STEPS,),
        in_specs=[
            pl.BlockSpec((1, N), lambda s: (0, 0)),
            pl.BlockSpec((SHEETS_PER_STEP, C, N), lambda s: (s, 0, 0)),
            pl.BlockSpec((SHEETS_PER_STEP, N), lambda s: (s, 0)),
        ],
        out_specs=pl.BlockSpec((1, 2), lambda s: (0, 0)),
        out_shape=jax.ShapeDtypeStruct((1, 2), jnp.float32),
        compiler_params=pltpu.CompilerParams(
            dimension_semantics=("arbitrary",),
            vmem_limit_bytes=100 * 1024 * 1024),
    )(cid2d, predt, targt)

    sc_out = _sc_partials(cid_pad, predt, targt)

    loss = pl.pallas_call(
        _fin_body,
        out_shape=jax.ShapeDtypeStruct((1, 1), jnp.float32),
    )(tc_out, sc_out)
    return loss[0, 0]

# --- scband reference (transcript-rebuilt; emitter-appended) ---
"""Pipeline reference for scband-mask-loss-19155554140192 (READ-ONLY COPY).

The authoritative reference and input builder live on the scoring server;
editing this copy changes nothing except your own understanding.
"""

import jax, jax.numpy as jnp
import numpy as np

N = 1000
C = 81
H = W = 28

def setup_inputs(seed: int = 0) -> dict:
    key = jax.random.key(seed)
    k1, k2, k3 = jax.random.split(key, 3)
    target_masks = jax.random.uniform(k1, (N, H, W), dtype=jnp.float32)
    target_class_ids = jax.random.randint(k2, (N,), 0, C, dtype=jnp.int64)
    pred_masks = jax.random.normal(k3, (N, C, H, W), dtype=jnp.float32)
    return {"target_masks": target_masks, "target_class_ids": target_class_ids, "pred_masks": pred_masks}

def reference(target_masks, target_class_ids, pred_masks):
    # Faithful translation of MaskLoss.forward (minus cv2 visualization side-effects).
    pos_mask = target_class_ids > 0
    n = target_class_ids.shape[0]
    h, w = target_masks.shape[1], target_masks.shape[2]
    # gather predicted mask for the ground-truth class of each ROI
    y_pred_all = pred_masks[jnp.arange(n), target_class_ids, :, :]
    y_true_all = target_masks
    # binary_cross_entropy_with_logits, elementwise
    x = y_pred_all
    z = y_true_all
    bce = jnp.maximum(x, 0.0) - x * z + jnp.log1p(jnp.exp(-jnp.abs(x)))
    # mean reduction over positive ROIs only, via fixed-shape masking
    mask3 = pos_mask[:, None, None]
    masked_sum = jnp.sum(jnp.where(mask3, bce, 0.0))
    num_pos = jnp.sum(pos_mask)
    denom = jnp.maximum(num_pos, 1) * h * w
    loss = masked_sum / denom.astype(jnp.float32)
    return loss

if __name__ == "__main__":
    import jax
    _d = setup_inputs()
    print(jax.jit(kernel)(*tuple(_d.values())))

</pallas_src>

<mosaic_0001>
#map = affine_map<(d0, d1) -> (0)>
#map1 = affine_map<(d0, d1) -> (0, 0, 0)>
#map2 = affine_map<(d0, d1) -> (0, 0)>
module attributes {stable_mosaic.version = 14 : i64} {
  func.func @_sc_partials(%arg0: i32, %arg1: i32, %arg2: memref<1024xi32, #tpu.memory_space<hbm>>, %arg3: memref<784x81x1000xf32, #tpu.memory_space<hbm>>, %arg4: memref<784x1000xf32, #tpu.memory_space<hbm>>, %arg5: memref<32x16xf32, #tpu.memory_space<hbm>>, %arg6: memref<1024xi32, #tpu.memory_space<vmem>>, %arg7: memref<81x128xf32, #tpu.memory_space<vmem>>, %arg8: memref<81x128xf32, #tpu.memory_space<vmem>>, %arg9: memref<81x128xf32, #tpu.memory_space<vmem>>, %arg10: memref<81x128xf32, #tpu.memory_space<vmem>>, %arg11: memref<128xf32, #tpu.memory_space<vmem>>, %arg12: memref<128xf32, #tpu.memory_space<vmem>>, %arg13: memref<128xf32, #tpu.memory_space<vmem>>, %arg14: memref<128xf32, #tpu.memory_space<vmem>>, %arg15: memref<16xf32, #tpu.memory_space<vmem>>, %arg16: memref<!tpu.dma_semaphore, #tpu.memory_space<semaphore_mem>>, %arg17: memref<!tpu.dma_semaphore, #tpu.memory_space<semaphore_mem>>, %arg18: memref<!tpu.dma_semaphore, #tpu.memory_space<semaphore_mem>>, %arg19: memref<!tpu.dma_semaphore, #tpu.memory_space<semaphore_mem>>, %arg20: memref<!tpu.dma_semaphore, #tpu.memory_space<semaphore_mem>>, %arg21: memref<!tpu.dma_semaphore, #tpu.memory_space<semaphore_mem>>, %arg22: memref<!tpu.dma_semaphore, #tpu.memory_space<semaphore_mem>>, %arg23: memref<!tpu.dma_semaphore, #tpu.memory_space<semaphore_mem>>) attributes {dimension_semantics = [#tpu.dimension_semantics<core_parallel>, #tpu.dimension_semantics<subcore_parallel>], iteration_bounds = array<i64: 2, 16>, scalar_prefetch = 0 : i64, scratch_operands = 18 : i64, tpu.core_type = #tpu.core_type<sc_vector_subcore>, window_params = [{transform_indices = #map}, {transform_indices = #map1}, {transform_indices = #map2}, {transform_indices = #map2}]} {
    %mul3A = arith.constant 2 : i32
    %mul3A_0 = arith.muli %arg1, %mul3A : i32
    %add3A = arith.addi %mul3A_0, %arg0 : i32
    %mul3A_1 = arith.constant 16 : i32
    %mul3A_2 = arith.muli %add3A, %mul3A_1 : i32
    "tpu.region"() ({
      %run_scoped3A = tpu.sem_alloc : memref<!tpu.dma_semaphore, #tpu.memory_space<semaphore_mem>>
      %dma_start3A_231 = arith.constant 0 : i32
      %dma_start3A_232 = tpu.memref_slice %arg2[%dma_start3A_231] : memref<1024xi32, #tpu.memory_space<hbm>> -> memref<1024xi32, #tpu.memory_space<hbm>>
      %dma_start3A_233 = arith.constant 0 : i32
      %dma_start3A_234 = tpu.memref_slice %arg2[%dma_start3A_233] : memref<1024xi32, #tpu.memory_space<hbm>> -> memref<1024xi32, #tpu.memory_space<hbm>>
      tpu.enqueue_dma source(%dma_start3A_234 : memref<1024xi32, #tpu.memory_space<hbm>>) target(%arg6 : memref<1024xi32, #tpu.memory_space<vmem>>) target_semaphore(%run_scoped3A : memref<!tpu.dma_semaphore, #tpu.memory_space<semaphore_mem>>)
      %dma_wait3A = arith.constant 0 : i32
      %dma_wait3A_235 = tpu.memref_slice %arg2[%dma_wait3A] : memref<1024xi32, #tpu.memory_space<hbm>> -> memref<1024xi32, #tpu.memory_space<hbm>>
      %dma_wait3A_236 = arith.constant 0 : i32
      %dma_wait3A_237 = tpu.memref_slice %arg2[%dma_wait3A_236] : memref<1024xi32, #tpu.memory_space<hbm>> -> memref<1024xi32, #tpu.memory_space<hbm>>
      tpu.wait_dma2 semaphore(%run_scoped3A : memref<!tpu.dma_semaphore, #tpu.memory_space<semaphore_mem>>) src(%dma_wait3A_237 : memref<1024xi32, #tpu.memory_space<hbm>>) dst(%arg6 : memref<1024xi32, #tpu.memory_space<vmem>>)
      tpu.yield
    }) : () -> ()
    %iota3A = tpu.iota {dimensions = array<i32: 0>} : vector<16xi32>
    %add3A_3 = arith.constant 0 : i32
    %add3A_4 = arith.addi %mul3A_2, %add3A_3 : i32
    %jit3A = arith.constant 8 : i32
    %div3A = arith.divsi %add3A_4, %jit3A : i32
    %sign3A = arith.constant 0 : i32
    %sign3A_5 = arith.cmpi sgt, %add3A_4, %sign3A : i32
    %sign3A_6 = arith.extui %sign3A_5 : i1 to i32
    %sign3A_7 = arith.constant 0 : i32
    %sign3A_8 = arith.cmpi slt, %add3A_4, %sign3A_7 : i32
    %sign3A_9 = arith.extui %sign3A_8 : i1 to i32
    %sign3A_10 = arith.subi %sign3A_6, %sign3A_9 : i32
    %sign3A_11 = arith.constant 0 : i32
    %sign3A_12 = arith.cmpi sgt, %jit3A, %sign3A_11 : i32
    %sign3A_13 = arith.extui %sign3A_12 : i1 to i32
    %sign3A_14 = arith.constant 0 : i32
    %sign3A_15 = arith.cmpi slt, %jit3A, %sign3A_14 : i32
    %sign3A_16 = arith.extui %sign3A_15 : i1 to i32
    %sign3A_17 = arith.subi %sign3A_13, %sign3A_16 : i32
    %ne3A = arith.cmpi ne, %sign3A_10, %sign3A_17 : i32
    %rem3A = arith.remsi %add3A_4, %jit3A : i32
    %ne3A_18 = arith.constant 0 : i32
    %ne3A_19 = arith.cmpi ne, %rem3A, %ne3A_18 : i32
    %and3A = arith.andi %ne3A, %ne3A_19 : i1
    %sub3A = arith.constant 1 : i32
    %sub3A_20 = arith.subi %div3A, %sub3A : i32
    %select_n3A = arith.select %and3A, %sub3A_20, %div3A : i32
    %add3A_21 = arith.constant 720 : i32
    %add3A_22 = arith.addi %add3A_21, %select_n3A : i32
    %jit3A_23 = arith.constant 8 : i32
    %eq3A = arith.constant 0 : i32
    %eq3A_24 = arith.cmpi eq, %jit3A_23, %eq3A : i32
    %jit3A_25 = arith.constant 1 : i32
    %select_n3A_26 = arith.select %eq3A_24, %jit3A_25, %jit3A_23 : i32
    %rem3A_27 = arith.remsi %add3A_4, %select_n3A_26 : i32
    %ne3A_28 = arith.constant 0 : i32
    %ne3A_29 = arith.cmpi ne, %rem3A_27, %ne3A_28 : i32
    %lt3A = arith.constant 0 : i32
    %lt3A_30 = arith.cmpi slt, %rem3A_27, %lt3A : i32
    %lt3A_31 = arith.constant 0 : i32
    %lt3A_32 = arith.cmpi slt, %select_n3A_26, %lt3A_31 : i32
    %ne3A_33 = arith.xori %lt3A_30, %lt3A_32 : i1
    %and3A_34 = arith.andi %ne3A_33, %ne3A_29 : i1
    %add3A_35 = arith.addi %rem3A_27, %select_n3A_26 : i32
    %select_n3A_36 = arith.select %and3A_34, %add3A_35, %rem3A_27 : i32
    %mul3A_37 = arith.constant 128 : i32
    %mul3A_38 = arith.muli %select_n3A_36, %mul3A_37 : i32
    %dma_start3A = arith.constant 0 : i32
    %dma_start3A_39 = tpu.memref_slice %arg3[%add3A_22, %dma_start3A, %mul3A_38] : memref<784x81x1000xf32, #tpu.memory_space<hbm>> -> memref<1x81x128xf32, #tpu.memory_space<hbm>>
    %dma_start3A_40 = tpu.memref_squeeze %dma_start3A_39 : memref<1x81x128xf32, #tpu.memory_space<hbm>> -> memref<81x128xf32, #tpu.memory_space<hbm>>
    %dma_start3A_41 = arith.constant 0 : i32
    %dma_start3A_42 = tpu.memref_slice %arg3[%add3A_22, %dma_start3A_41, %mul3A_38] : memref<784x81x1000xf32, #tpu.memory_space<hbm>> -> memref<1x81x128xf32, #tpu.memory_space<hbm>>
    %dma_start3A_43 = tpu.memref_squeeze %dma_start3A_42 : memref<1x81x128xf32, #tpu.memory_space<hbm>> -> memref<81x128xf32, #tpu.memory_space<hbm>>
    tpu.enqueue_dma source(%dma_start3A_43 : memref<81x128xf32, #tpu.memory_space<hbm>>) target(%arg7 : memref<81x128xf32, #tpu.memory_space<vmem>>) target_semaphore(%arg16 : memref<!tpu.dma_semaphore, #tpu.memory_space<semaphore_mem>>)
    %mul3A_44 = arith.constant 128 : i32
    %mul3A_45 = arith.muli %select_n3A_36, %mul3A_44 : i32
    %dma_start3A_46 = tpu.memref_slice %arg4[%add3A_22, %mul3A_45] : memref<784x1000xf32, #tpu.memory_space<hbm>> -> memref<1x128xf32, #tpu.memory_space<hbm>>
    %dma_start3A_47 = tpu.memref_squeeze %dma_start3A_46 : memref<1x128xf32, #tpu.memory_space<hbm>> -> memref<128xf32, #tpu.memory_space<hbm>>
    %dma_start3A_48 = tpu.memref_slice %arg4[%add3A_22, %mul3A_45] : memref<784x1000xf32, #tpu.memory_space<hbm>> -> memref<1x128xf32, #tpu.memory_space<hbm>>
    %dma_start3A_49 = tpu.memref_squeeze %dma_start3A_48 : memref<1x128xf32, #tpu.memory_space<hbm>> -> memref<128xf32, #tpu.memory_space<hbm>>
    tpu.enqueue_dma source(%dma_start3A_49 : memref<128xf32, #tpu.memory_space<hbm>>) target(%arg11 : memref<128xf32, #tpu.memory_space<vmem>>) target_semaphore(%arg20 : memref<!tpu.dma_semaphore, #tpu.memory_space<semaphore_mem>>)
    %add3A_50 = arith.constant 1 : i32
    %add3A_51 = arith.addi %mul3A_2, %add3A_50 : i32
    %jit3A_52 = arith.constant 8 : i32
    %div3A_53 = arith.divsi %add3A_51, %jit3A_52 : i32
    %sign3A_54 = arith.constant 0 : i32
    %sign3A_55 = arith.cmpi sgt, %add3A_51, %sign3A_54 : i32
    %sign3A_56 = arith.extui %sign3A_55 : i1 to i32
    %sign3A_57 = arith.constant 0 : i32
    %sign3A_58 = arith.cmpi slt, %add3A_51, %sign3A_57 : i32
    %sign3A_59 = arith.extui %sign3A_58 : i1 to i32
    %sign3A_60 = arith.subi %sign3A_56, %sign3A_59 : i32
    %sign3A_61 = arith.constant 0 : i32
    %sign3A_62 = arith.cmpi sgt, %jit3A_52, %sign3A_61 : i32
    %sign3A_63 = arith.extui %sign3A_62 : i1 to i32
    %sign3A_64 = arith.constant 0 : i32
    %sign3A_65 = arith.cmpi slt, %jit3A_52, %sign3A_64 : i32
    %sign3A_66 = arith.extui %sign3A_65 : i1 to i32
    %sign3A_67 = arith.subi %sign3A_63, %sign3A_66 : i32
    %ne3A_68 = arith.cmpi ne, %sign3A_60, %sign3A_67 : i32
    %rem3A_69 = arith.remsi %add3A_51, %jit3A_52 : i32
    %ne3A_70 = arith.constant 0 : i32
    %ne3A_71 = arith.cmpi ne, %rem3A_69, %ne3A_70 : i32
    %and3A_72 = arith.andi %ne3A_68, %ne3A_71 : i1
    %sub3A_73 = arith.constant 1 : i32
    %sub3A_74 = arith.subi %div3A_53, %sub3A_73 : i32
    %select_n3A_75 = arith.select %and3A_72, %sub3A_74, %div3A_53 : i32
    %add3A_76 = arith.constant 720 : i32
    %add3A_77 = arith.addi %add3A_76, %select_n3A_75 : i32
    %jit3A_78 = arith.constant 8 : i32
    %eq3A_79 = arith.constant 0 : i32
    %eq3A_80 = arith.cmpi eq, %jit3A_78, %eq3A_79 : i32
    %jit3A_81 = arith.constant 1 : i32
    %select_n3A_82 = arith.select %eq3A_80, %jit3A_81, %jit3A_78 : i32
    %rem3A_83 = arith.remsi %add3A_51, %select_n3A_82 : i32
    %ne3A_84 = arith.constant 0 : i32
    %ne3A_85 = arith.cmpi ne, %rem3A_83, %ne3A_84 : i32
    %lt3A_86 = arith.constant 0 : i32
    %lt3A_87 = arith.cmpi slt, %rem3A_83, %lt3A_86 : i32
    %lt3A_88 = arith.constant 0 : i32
    %lt3A_89 = arith.cmpi slt, %select_n3A_82, %lt3A_88 : i32
    %ne3A_90 = arith.xori %lt3A_87, %lt3A_89 : i1
    %and3A_91 = arith.andi %ne3A_90, %ne3A_85 : i1
    %add3A_92 = arith.addi %rem3A_83, %select_n3A_82 : i32
    %select_n3A_93 = arith.select %and3A_91, %add3A_92, %rem3A_83 : i32
    %mul3A_94 = arith.constant 128 : i32
    %mul3A_95 = arith.muli %select_n3A_93, %mul3A_94 : i32
    %dma_start3A_96 = arith.constant 0 : i32
    %dma_start3A_97 = tpu.memref_slice %arg3[%add3A_77, %dma_start3A_96, %mul3A_95] : memref<784x81x1000xf32, #tpu.memory_space<hbm>> -> memref<1x81x128xf32, #tpu.memory_space<hbm>>
    %dma_start3A_98 = tpu.memref_squeeze %dma_start3A_97 : memref<1x81x128xf32, #tpu.memory_space<hbm>> -> memref<81x128xf32, #tpu.memory_space<hbm>>
    %dma_start3A_99 = arith.constant 0 : i32
    %dma_start3A_100 = tpu.memref_slice %arg3[%add3A_77, %dma_start3A_99, %mul3A_95] : memref<784x81x1000xf32, #tpu.memory_space<hbm>> -> memref<1x81x128xf32, #tpu.memory_space<hbm>>
    %dma_start3A_101 = tpu.memref_squeeze %dma_start3A_100 : memref<1x81x128xf32, #tpu.memory_space<hbm>> -> memref<81x128xf32, #tpu.memory_space<hbm>>
    tpu.enqueue_dma source(%dma_start3A_101 : memref<81x128xf32, #tpu.memory_space<hbm>>) target(%arg8 : memref<81x128xf32, #tpu.memory_space<vmem>>) target_semaphore(%arg17 : memref<!tpu.dma_semaphore, #tpu.memory_space<semaphore_mem>>)
    %mul3A_102 = arith.constant 128 : i32
    %mul3A_103 = arith.muli %select_n3A_93, %mul3A_102 : i32
    %dma_start3A_104 = tpu.memref_slice %arg4[%add3A_77, %mul3A_103] : memref<784x1000xf32, #tpu.memory_space<hbm>> -> memref<1x128xf32, #tpu.memory_space<hbm>>
    %dma_start3A_105 = tpu.memref_squeeze %dma_start3A_104 : memref<1x128xf32, #tpu.memory_space<hbm>> -> memref<128xf32, #tpu.memory_space<hbm>>
    %dma_start3A_106 = tpu.memref_slice %arg4[%add3A_77, %mul3A_103] : memref<784x1000xf32, #tpu.memory_space<hbm>> -> memref<1x128xf32, #tpu.memory_space<hbm>>
    %dma_start3A_107 = tpu.memref_squeeze %dma_start3A_106 : memref<1x128xf32, #tpu.memory_space<hbm>> -> memref<128xf32, #tpu.memory_space<hbm>>
    tpu.enqueue_dma source(%dma_start3A_107 : memref<128xf32, #tpu.memory_space<hbm>>) target(%arg12 : memref<128xf32, #tpu.memory_space<vmem>>) target_semaphore(%arg21 : memref<!tpu.dma_semaphore, #tpu.memory_space<semaphore_mem>>)
    %add3A_108 = arith.constant 2 : i32
    %add3A_109 = arith.addi %mul3A_2, %add3A_108 : i32
    %jit3A_110 = arith.constant 8 : i32
    %div3A_111 = arith.divsi %add3A_109, %jit3A_110 : i32
    %sign3A_112 = arith.constant 0 : i32
    %sign3A_113 = arith.cmpi sgt, %add3A_109, %sign3A_112 : i32
    %sign3A_114 = arith.extui %sign3A_113 : i1 to i32
    %sign3A_115 = arith.constant 0 : i32
    %sign3A_116 = arith.cmpi slt, %add3A_109, %sign3A_115 : i32
    %sign3A_117 = arith.extui %sign3A_116 : i1 to i32
    %sign3A_118 = arith.subi %sign3A_114, %sign3A_117 : i32
    %sign3A_119 = arith.constant 0 : i32
    %sign3A_120 = arith.cmpi sgt, %jit3A_110, %sign3A_119 : i32
    %sign3A_121 = arith.extui %sign3A_120 : i1 to i32
    %sign3A_122 = arith.constant 0 : i32
    %sign3A_123 = arith.cmpi slt, %jit3A_110, %sign3A_122 : i32
    %sign3A_124 = arith.extui %sign3A_123 : i1 to i32
    %sign3A_125 = arith.subi %sign3A_121, %sign3A_124 : i32
    %ne3A_126 = arith.cmpi ne, %sign3A_118, %sign3A_125 : i32
    %rem3A_127 = arith.remsi %add3A_109, %jit3A_110 : i32
    %ne3A_128 = arith.constant 0 : i32
    %ne3A_129 = arith.cmpi ne, %rem3A_127, %ne3A_128 : i32
    %and3A_130 = arith.andi %ne3A_126, %ne3A_129 : i1
    %sub3A_131 = arith.constant 1 : i32
    %sub3A_132 = arith.subi %div3A_111, %sub3A_131 : i32
    %select_n3A_133 = arith.select %and3A_130, %sub3A_132, %div3A_111 : i32
    %add3A_134 = arith.constant 720 : i32
    %add3A_135 = arith.addi %add3A_134, %select_n3A_133 : i32
    %jit3A_136 = arith.constant 8 : i32
    %eq3A_137 = arith.constant 0 : i32
    %eq3A_138 = arith.cmpi eq, %jit3A_136, %eq3A_137 : i32
    %jit3A_139 = arith.constant 1 : i32
    %select_n3A_140 = arith.select %eq3A_138, %jit3A_139, %jit3A_136 : i32
    %rem3A_141 = arith.remsi %add3A_109, %select_n3A_140 : i32
    %ne3A_142 = arith.constant 0 : i32
    %ne3A_143 = arith.cmpi ne, %rem3A_141, %ne3A_142 : i32
    %lt3A_144 = arith.constant 0 : i32
    %lt3A_145 = arith.cmpi slt, %rem3A_141, %lt3A_144 : i32
    %lt3A_146 = arith.constant 0 : i32
    %lt3A_147 = arith.cmpi slt, %select_n3A_140, %lt3A_146 : i32
    %ne3A_148 = arith.xori %lt3A_145, %lt3A_147 : i1
    %and3A_149 = arith.andi %ne3A_148, %ne3A_143 : i1
    %add3A_150 = arith.addi %rem3A_141, %select_n3A_140 : i32
    %select_n3A_151 = arith.select %and3A_149, %add3A_150, %rem3A_141 : i32
    %mul3A_152 = arith.constant 128 : i32
    %mul3A_153 = arith.muli %select_n3A_151, %mul3A_152 : i32
    %dma_start3A_154 = arith.constant 0 : i32
    %dma_start3A_155 = tpu.memref_slice %arg3[%add3A_135, %dma_start3A_154, %mul3A_153] : memref<784x81x1000xf32, #tpu.memory_space<hbm>> -> memref<1x81x128xf32, #tpu.memory_space<hbm>>
    %dma_start3A_156 = tpu.memref_squeeze %dma_start3A_155 : memref<1x81x128xf32, #tpu.memory_space<hbm>> -> memref<81x128xf32, #tpu.memory_space<hbm>>
    %dma_start3A_157 = arith.constant 0 : i32
    %dma_start3A_158 = tpu.memref_slice %arg3[%add3A_135, %dma_start3A_157, %mul3A_153] : memref<784x81x1000xf32, #tpu.memory_space<hbm>> -> memref<1x81x128xf32, #tpu.memory_space<hbm>>
    %dma_start3A_159 = tpu.memref_squeeze %dma_start3A_158 : memref<1x81x128xf32, #tpu.memory_space<hbm>> -> memref<81x128xf32, #tpu.memory_space<hbm>>
    tpu.enqueue_dma source(%dma_start3A_159 : memref<81x128xf32, #tpu.memory_space<hbm>>) target(%arg9 : memref<81x128xf32, #tpu.memory_space<vmem>>) target_semaphore(%arg18 : memref<!tpu.dma_semaphore, #tpu.memory_space<semaphore_mem>>)
    %mul3A_160 = arith.constant 128 : i32
    %mul3A_161 = arith.muli %select_n3A_151, %mul3A_160 : i32
    %dma_start3A_162 = tpu.memref_slice %arg4[%add3A_135, %mul3A_161] : memref<784x1000xf32, #tpu.memory_space<hbm>> -> memref<1x128xf32, #tpu.memory_space<hbm>>
    %dma_start3A_163 = tpu.memref_squeeze %dma_start3A_162 : memref<1x128xf32, #tpu.memory_space<hbm>> -> memref<128xf32, #tpu.memory_space<hbm>>
    %dma_start3A_164 = tpu.memref_slice %arg4[%add3A_135, %mul3A_161] : memref<784x1000xf32, #tpu.memory_space<hbm>> -> memref<1x128xf32, #tpu.memory_space<hbm>>
    %dma_start3A_165 = tpu.memref_squeeze %dma_start3A_164 : memref<1x128xf32, #tpu.memory_space<hbm>> -> memref<128xf32, #tpu.memory_space<hbm>>
    tpu.enqueue_dma source(%dma_start3A_165 : memref<128xf32, #tpu.memory_space<hbm>>) target(%arg13 : memref<128xf32, #tpu.memory_space<vmem>>) target_semaphore(%arg22 : memref<!tpu.dma_semaphore, #tpu.memory_space<semaphore_mem>>)
    %add3A_166 = arith.constant 3 : i32
    %add3A_167 = arith.addi %mul3A_2, %add3A_166 : i32
    %jit3A_168 = arith.constant 8 : i32
    %div3A_169 = arith.divsi %add3A_167, %jit3A_168 : i32
    %sign3A_170 = arith.constant 0 : i32
    %sign3A_171 = arith.cmpi sgt, %add3A_167, %sign3A_170 : i32
    %sign3A_172 = arith.extui %sign3A_171 : i1 to i32
    %sign3A_173 = arith.constant 0 : i32
    %sign3A_174 = arith.cmpi slt, %add3A_167, %sign3A_173 : i32
    %sign3A_175 = arith.extui %sign3A_174 : i1 to i32
    %sign3A_176 = arith.subi %sign3A_172, %sign3A_175 : i32
    %sign3A_177 = arith.constant 0 : i32
    %sign3A_178 = arith.cmpi sgt, %jit3A_168, %sign3A_177 : i32
    %sign3A_179 = arith.extui %sign3A_178 : i1 to i32
    %sign3A_180 = arith.constant 0 : i32
    %sign3A_181 = arith.cmpi slt, %jit3A_168, %sign3A_180 : i32
    %sign3A_182 = arith.extui %sign3A_181 : i1 to i32
    %sign3A_183 = arith.subi %sign3A_179, %sign3A_182 : i32
    %ne3A_184 = arith.cmpi ne, %sign3A_176, %sign3A_183 : i32
    %rem3A_185 = arith.remsi %add3A_167, %jit3A_168 : i32
    %ne3A_186 = arith.constant 0 : i32
    %ne3A_187 = arith.cmpi ne, %rem3A_185, %ne3A_186 : i32
    %and3A_188 = arith.andi %ne3A_184, %ne3A_187 : i1
    %sub3A_189 = arith.constant 1 : i32
    %sub3A_190 = arith.subi %div3A_169, %sub3A_189 : i32
    %select_n3A_191 = arith.select %and3A_188, %sub3A_190, %div3A_169 : i32
    %add3A_192 = arith.constant 720 : i32
    %add3A_193 = arith.addi %add3A_192, %select_n3A_191 : i32
    %jit3A_194 = arith.constant 8 : i32
    %eq3A_195 = arith.constant 0 : i32
    %eq3A_196 = arith.cmpi eq, %jit3A_194, %eq3A_195 : i32
    %jit3A_197 = arith.constant 1 : i32
    %select_n3A_198 = arith.select %eq3A_196, %jit3A_197, %jit3A_194 : i32
    %rem3A_199 = arith.remsi %add3A_167, %select_n3A_198 : i32
    %ne3A_200 = arith.constant 0 : i32
    %ne3A_201 = arith.cmpi ne, %rem3A_199, %ne3A_200 : i32
    %lt3A_202 = arith.constant 0 : i32
    %lt3A_203 = arith.cmpi slt, %rem3A_199, %lt3A_202 : i32
    %lt3A_204 = arith.constant 0 : i32
    %lt3A_205 = arith.cmpi slt, %select_n3A_198, %lt3A_204 : i32
    %ne3A_206 = arith.xori %lt3A_203, %lt3A_205 : i1
    %and3A_207 = arith.andi %ne3A_206, %ne3A_201 : i1
    %add3A_208 = arith.addi %rem3A_199, %select_n3A_198 : i32
    %select_n3A_209 = arith.select %and3A_207, %add3A_208, %rem3A_199 : i32
    %mul3A_210 = arith.constant 128 : i32
    %mul3A_211 = arith.muli %select_n3A_209, %mul3A_210 : i32
    %dma_start3A_212 = arith.constant 0 : i32
    %dma_start3A_213 = tpu.memref_slice %arg3[%add3A_193, %dma_start3A_212, %mul3A_211] : memref<784x81x1000xf32, #tpu.memory_space<hbm>> -> memref<1x81x128xf32, #tpu.memory_space<hbm>>
    %dma_start3A_214 = tpu.memref_squeeze %dma_start3A_213 : memref<1x81x128xf32, #tpu.memory_space<hbm>> -> memref<81x128xf32, #tpu.memory_space<hbm>>
    %dma_start3A_215 = arith.constant 0 : i32
    %dma_start3A_216 = tpu.memref_slice %arg3[%add3A_193, %dma_start3A_215, %mul3A_211] : memref<784x81x1000xf32, #tpu.memory_space<hbm>> -> memref<1x81x128xf32, #tpu.memory_space<hbm>>
    %dma_start3A_217 = tpu.memref_squeeze %dma_start3A_216 : memref<1x81x128xf32, #tpu.memory_space<hbm>> -> memref<81x128xf32, #tpu.memory_space<hbm>>
    tpu.enqueue_dma source(%dma_start3A_217 : memref<81x128xf32, #tpu.memory_space<hbm>>) target(%arg10 : memref<81x128xf32, #tpu.memory_space<vmem>>) target_semaphore(%arg19 : memref<!tpu.dma_semaphore, #tpu.memory_space<semaphore_mem>>)
    %mul3A_218 = arith.constant 128 : i32
    %mul3A_219 = arith.muli %select_n3A_209, %mul3A_218 : i32
    %dma_start3A_220 = tpu.memref_slice %arg4[%add3A_193, %mul3A_219] : memref<784x1000xf32, #tpu.memory_space<hbm>> -> memref<1x128xf32, #tpu.memory_space<hbm>>
    %dma_start3A_221 = tpu.memref_squeeze %dma_start3A_220 : memref<1x128xf32, #tpu.memory_space<hbm>> -> memref<128xf32, #tpu.memory_space<hbm>>
    %dma_start3A_222 = tpu.memref_slice %arg4[%add3A_193, %mul3A_219] : memref<784x1000xf32, #tpu.memory_space<hbm>> -> memref<1x128xf32, #tpu.memory_space<hbm>>
    %dma_start3A_223 = tpu.memref_squeeze %dma_start3A_222 : memref<1x128xf32, #tpu.memory_space<hbm>> -> memref<128xf32, #tpu.memory_space<hbm>>
    tpu.enqueue_dma source(%dma_start3A_223 : memref<128xf32, #tpu.memory_space<hbm>>) target(%arg14 : memref<128xf32, #tpu.memory_space<vmem>>) target_semaphore(%arg23 : memref<!tpu.dma_semaphore, #tpu.memory_space<semaphore_mem>>)
    %broadcast_in_dim3A = arith.constant 0.000000e+00 : f32
    %broadcast_in_dim3A_224 = vector.broadcast %broadcast_in_dim3A : f32 to vector<16xf32>
    %scan3A = arith.constant 0 : i32
    %scan3A_225 = arith.constant 4 : i32
    %scan3A_226 = arith.addi %scan3A, %scan3A_225 : i32
    %scan3A_227 = arith.constant 1 : i32
    %scan3A_228 = scf.for %scan3A_231 = %scan3A to %scan3A_226 step %scan3A_227 iter_args(%scan3A_232 = %broadcast_in_dim3A_224) -> (vector<16xf32>)  : i32 {
      %mul3A_233 = arith.constant 4 : i32
      %mul3A_234 = arith.muli %scan3A_231, %mul3A_233 : i32
      %add3A_235 = arith.constant 0 : i32
      %add3A_236 = arith.addi %mul3A_234, %add3A_235 : i32
      %dma_wait3A = arith.constant 720 : i32
      %dma_wait3A_237 = arith.constant 0 : i32
      %dma_wait3A_238 = arith.constant 0 : i32
      %dma_wait3A_239 = tpu.memref_slice %arg3[%dma_wait3A, %dma_wait3A_237, %dma_wait3A_238] : memref<784x81x1000xf32, #tpu.memory_space<hbm>> -> memref<1x81x128xf32, #tpu.memory_space<hbm>>
      %dma_wait3A_240 = tpu.memref_squeeze %dma_wait3A_239 : memref<1x81x128xf32, #tpu.memory_space<hbm>> -> memref<81x128xf32, #tpu.memory_space<hbm>>
      %dma_wait3A_241 = arith.constant 0 : i32
      %dma_wait3A_242 = arith.constant 0 : i32
      %dma_wait3A_243 = tpu.memref_slice %arg3[%dma_wait3A, %dma_wait3A_241, %dma_wait3A_242] : memref<784x81x1000xf32, #tpu.memory_space<hbm>> -> memref<1x81x128xf32, #tpu.memory_space<hbm>>
      %dma_wait3A_244 = tpu.memref_squeeze %dma_wait3A_243 : memref<1x81x128xf32, #tpu.memory_space<hbm>> -> memref<81x128xf32, #tpu.memory_space<hbm>>
      tpu.wait_dma2 semaphore(%arg16 : memref<!tpu.dma_semaphore, #tpu.memory_space<semaphore_mem>>) src(%dma_wait3A_244 : memref<81x128xf32, #tpu.memory_space<hbm>>) dst(%arg7 : memref<81x128xf32, #tpu.memory_space<vmem>>)
      %dma_wait3A_245 = arith.constant 720 : i32
      %dma_wait3A_246 = arith.constant 0 : i32
      %dma_wait3A_247 = tpu.memref_slice %arg4[%dma_wait3A_245, %dma_wait3A_246] : memref<784x1000xf32, #tpu.memory_space<hbm>> -> memref<1x128xf32, #tpu.memory_space<hbm>>
      %dma_wait3A_248 = tpu.memref_squeeze %dma_wait3A_247 : memref<1x128xf32, #tpu.memory_space<hbm>> -> memref<128xf32, #tpu.memory_space<hbm>>
      %dma_wait3A_249 = arith.constant 0 : i32
      %dma_wait3A_250 = tpu.memref_slice %arg4[%dma_wait3A_245, %dma_wait3A_249] : memref<784x1000xf32, #tpu.memory_space<hbm>> -> memref<1x128xf32, #tpu.memory_space<hbm>>
      %dma_wait3A_251 = tpu.memref_squeeze %dma_wait3A_250 : memref<1x128xf32, #tpu.memory_space<hbm>> -> memref<128xf32, #tpu.memory_space<hbm>>
      tpu.wait_dma2 semaphore(%arg20 : memref<!tpu.dma_semaphore, #tpu.memory_space<semaphore_mem>>) src(%dma_wait3A_251 : memref<128xf32, #tpu.memory_space<hbm>>) dst(%arg11 : memref<128xf32, #tpu.memory_space<vmem>>)
      %add3A_252 = arith.addi %mul3A_2, %add3A_236 : i32
      %jit3A_253 = arith.constant 8 : i32
      %eq3A_254 = arith.constant 0 : i32
      %eq3A_255 = arith.cmpi eq, %jit3A_253, %eq3A_254 : i32
      %jit3A_256 = arith.constant 1 : i32
      %select_n3A_257 = arith.select %eq3A_255, %jit3A_256, %jit3A_253 : i32
      %rem3A_258 = arith.remsi %add3A_252, %select_n3A_257 : i32
      %ne3A_259 = arith.constant 0 : i32
      %ne3A_260 = arith.cmpi ne, %rem3A_258, %ne3A_259 : i32
      %lt3A_261 = arith.constant 0 : i32
      %lt3A_262 = arith.cmpi slt, %rem3A_258, %lt3A_261 : i32
      %lt3A_263 = arith.constant 0 : i32
      %lt3A_264 = arith.cmpi slt, %select_n3A_257, %lt3A_263 : i32
      %ne3A_265 = arith.xori %lt3A_262, %lt3A_264 : i1
      %and3A_266 = arith.andi %ne3A_265, %ne3A_260 : i1
      %add3A_267 = arith.addi %rem3A_258, %select_n3A_257 : i32
      %select_n3A_268 = arith.select %and3A_266, %add3A_267, %rem3A_258 : i32
      %scan3A_269 = arith.constant 0 : i32
      %scan3A_270 = arith.constant 8 : i32
      %scan3A_271 = arith.addi %scan3A_269, %scan3A_270 : i32
      %scan3A_272 = arith.constant 1 : i32
      %scan3A_273 = scf.for %scan3A_430 = %scan3A_269 to %scan3A_271 step %scan3A_272 iter_args(%scan3A_431 = %scan3A_232) -> (vector<16xf32>)  : i32 {
        %mul3A_432 = arith.constant 128 : i32
        %mul3A_433 = arith.muli %select_n3A_268, %mul3A_432 : i32
        %mul3A_434 = arith.constant 16 : i32
        %mul3A_435 = arith.muli %scan3A_430, %mul3A_434 : i32
        %add3A_436 = arith.addi %mul3A_433, %mul3A_435 : i32
        %get3A = arith.index_cast %add3A_436 : i32 to index
        %get3A_437 = tpu.vector_load %arg6[%get3A] {strides = array<i32>} : memref<1024xi32, #tpu.memory_space<vmem>>, vector<16xi32>,
        %mul3A_438 = arith.constant 16 : i32
        %mul3A_439 = arith.muli %scan3A_430, %mul3A_438 : i32
        %add3A_440 = vector.broadcast %mul3A_439 : i32 to vector<16xi32>
        %add3A_441 = arith.addi %add3A_440, %iota3A : vector<16xi32>
        %gather3A = tpu.vector_load_idx %arg7[%get3A_437, %add3A_441] : memref<81x128xf32, #tpu.memory_space<vmem>>[vector<16xi32>, vector<16xi32>], vector<16xf32>,
        %mul3A_442 = arith.constant 16 : i32
        %mul3A_443 = arith.muli %scan3A_430, %mul3A_442 : i32
        %get3A_444 = arith.index_cast %mul3A_443 : i32 to index
        %get3A_445 = tpu.vector_load %arg11[%get3A_444] {strides = array<i32>} : memref<128xf32, #tpu.memory_space<vmem>>, vector<16xf32>,
        %gt3A = arith.constant 0 : i32
        %gt3A_446 = vector.broadcast %gt3A : i32 to vector<16xi32>
        %gt3A_447 = arith.cmpi sgt, %get3A_437, %gt3A_446 : vector<16xi32>
        %jit3A_448 = arith.constant 1.000000e+00 : f32
        %jit3A_449 = arith.constant 0.000000e+00 : f32
        %broadcast_in_dim3A_450 = vector.broadcast %jit3A_448 : f32 to vector<16xf32>
        %broadcast_in_dim3A_451 = vector.broadcast %jit3A_449 : f32 to vector<16xf32>
        %select_n3A_452 = arith.select %gt3A_447, %broadcast_in_dim3A_450, %broadcast_in_dim3A_451 : vector<16xi1>, vector<16xf32>
        %abs3A = math.absf %gather3A : vector<16xf32>
        %neg3A = arith.constant 0.000000e+00 : f32
        %neg3A_453 = vector.broadcast %neg3A : f32 to vector<16xf32>
        %neg3A_454 = arith.subf %neg3A_453, %abs3A : vector<16xf32>
        %exp3A = math.exp %neg3A_454 : vector<16xf32>
        %add3A_455 = arith.constant 2.000000e+00 : f32
        %add3A_456 = vector.broadcast %add3A_455 : f32 to vector<16xf32>
        %add3A_457 = arith.addf %add3A_456, %exp3A : vector<16xf32>
        %div3A_458 = arith.divf %exp3A, %add3A_457 : vector<16xf32>
        %mul3A_459 = arith.mulf %div3A_458, %div3A_458 : vector<16xf32>
        %mul3A_460 = arith.constant 0.222222224 : f32
        %mul3A_461 = vector.broadcast %mul3A_460 : f32 to vector<16xf32>
        %mul3A_462 = arith.mulf %mul3A_459, %mul3A_461 : vector<16xf32>
        %add3A_463 = arith.constant 0.285714298 : f32
        %add3A_464 = vector.broadcast %add3A_463 : f32 to vector<16xf32>
        %add3A_465 = arith.addf %add3A_464, %mul3A_462 : vector<16xf32>
        %mul3A_466 = arith.mulf %mul3A_459, %add3A_465 : vector<16xf32>
        %add3A_467 = arith.constant 4.000000e-01 : f32
        %add3A_468 = vector.broadcast %add3A_467 : f32 to vector<16xf32>
        %add3A_469 = arith.addf %add3A_468, %mul3A_466 : vector<16xf32>
        %mul3A_470 = arith.mulf %mul3A_459, %add3A_469 : vector<16xf32>
        %add3A_471 = arith.constant 0.666666686 : f32
        %add3A_472 = vector.broadcast %add3A_471 : f32 to vector<16xf32>
        %add3A_473 = arith.addf %add3A_472, %mul3A_470 : vector<16xf32>
        %mul3A_474 = arith.mulf %mul3A_459, %add3A_473 : vector<16xf32>
        %add3A_475 = arith.constant 2.000000e+00 : f32
        %add3A_476 = vector.broadcast %add3A_475 : f32 to vector<16xf32>
        %add3A_477 = arith.addf %add3A_476, %mul3A_474 : vector<16xf32>
        %mul3A_478 = arith.mulf %div3A_458, %add3A_477 : vector<16xf32>
        %max3A = arith.constant 0.000000e+00 : f32
        %max3A_479 = vector.broadcast %max3A : f32 to vector<16xf32>
        %max3A_480 = arith.maximumf %gather3A, %max3A_479 : vector<16xf32>
        %mul3A_481 = arith.mulf %gather3A, %get3A_445 : vector<16xf32>
        %sub3A_482 = arith.subf %max3A_480, %mul3A_481 : vector<16xf32>
        %add3A_483 = arith.addf %sub3A_482, %mul3A_478 : vector<16xf32>
        %mul3A_484 = arith.mulf %select_n3A_452, %add3A_483 : vector<16xf32>
        %add3A_485 = arith.addf %scan3A_431, %mul3A_484 : vector<16xf32>
        scf.yield %add3A_485 : vector<16xf32>
      }
      %scan3A_274 = arith.constant 8 : i32
      %add3A_275 = arith.constant 4 : i32
      %add3A_276 = arith.addi %add3A_236, %add3A_275 : i32
      %lt3A_277 = arith.constant 16 : i32
      %lt3A_278 = arith.cmpi slt, %add3A_276, %lt3A_277 : i32
      %convert_element_type3A = arith.extui %lt3A_278 : i1 to i32
      %cond3A = arith.constant 0 : i32
      %cond3A_279 = arith.cmpi ne, %convert_element_type3A, %cond3A : i32
      scf.if %cond3A_279 {
        %add3A_430 = arith.constant 4 : i32
        %add3A_431 = arith.addi %add3A_236, %add3A_430 : i32
        %add3A_432 = arith.addi %mul3A_2, %add3A_431 : i32
        %jit3A_433 = arith.constant 8 : i32
        %div3A_434 = arith.divsi %add3A_432, %jit3A_433 : i32
        %sign3A_435 = arith.constant 0 : i32
        %sign3A_436 = arith.cmpi sgt, %add3A_432, %sign3A_435 : i32
        %sign3A_437 = arith.extui %sign3A_436 : i1 to i32
        %sign3A_438 = arith.constant 0 : i32
        %sign3A_439 = arith.cmpi slt, %add3A_432, %sign3A_438 : i32
        %sign3A_440 = arith.extui %sign3A_439 : i1 to i32
        %sign3A_441 = arith.subi %sign3A_437, %sign3A_440 : i32
        %sign3A_442 = arith.constant 0 : i32
        %sign3A_443 = arith.cmpi sgt, %jit3A_433, %sign3A_442 : i32
        %sign3A_444 = arith.extui %sign3A_443 : i1 to i32
        %sign3A_445 = arith.constant 0 : i32
        %sign3A_446 = arith.cmpi slt, %jit3A_433, %sign3A_445 : i32
        %sign3A_447 = arith.extui %sign3A_446 : i1 to i32
        %sign3A_448 = arith.subi %sign3A_444, %sign3A_447 : i32
        %ne3A_449 = arith.cmpi ne, %sign3A_441, %sign3A_448 : i32
        %rem3A_450 = arith.remsi %add3A_432, %jit3A_433 : i32
        %ne3A_451 = arith.constant 0 : i32
        %ne3A_452 = arith.cmpi ne, %rem3A_450, %ne3A_451 : i32
        %and3A_453 = arith.andi %ne3A_449, %ne3A_452 : i1
        %sub3A_454 = arith.constant 1 : i32
        %sub3A_455 = arith.subi %div3A_434, %sub3A_454 : i32
        %select_n3A_456 = arith.select %and3A_453, %sub3A_455, %div3A_434 : i32
        %add3A_457 = arith.constant 720 : i32
        %add3A_458 = arith.addi %add3A_457, %select_n3A_456 : i32
        %jit3A_459 = arith.constant 8 : i32
        %eq3A_460 = arith.constant 0 : i32
        %eq3A_461 = arith.cmpi eq, %jit3A_459, %eq3A_460 : i32
        %jit3A_462 = arith.constant 1 : i32
        %select_n3A_463 = arith.select %eq3A_461, %jit3A_462, %jit3A_459 : i32
        %rem3A_464 = arith.remsi %add3A_432, %select_n3A_463 : i32
        %ne3A_465 = arith.constant 0 : i32
        %ne3A_466 = arith.cmpi ne, %rem3A_464, %ne3A_465 : i32
        %lt3A_467 = arith.constant 0 : i32
        %lt3A_468 = arith.cmpi slt, %rem3A_464, %lt3A_467 : i32
        %lt3A_469 = arith.constant 0 : i32
        %lt3A_470 = arith.cmpi slt, %select_n3A_463, %lt3A_469 : i32
        %ne3A_471 = arith.xori %lt3A_468, %lt3A_470 : i1
        %and3A_472 = arith.andi %ne3A_471, %ne3A_466 : i1
        %add3A_473 = arith.addi %rem3A_464, %select_n3A_463 : i32
        %select_n3A_474 = arith.select %and3A_472, %add3A_473, %rem3A_464 : i32
        %mul3A_475 = arith.constant 128 : i32
        %mul3A_476 = arith.muli %select_n3A_474, %mul3A_475 : i32
        %dma_start3A_477 = arith.constant 0 : i32
        %dma_start3A_478 = tpu.memref_slice %arg3[%add3A_458, %dma_start3A_477, %mul3A_476] : memref<784x81x1000xf32, #tpu.memory_space<hbm>> -> memref<1x81x128xf32, #tpu.memory_space<hbm>>
        %dma_start3A_479 = tpu.memref_squeeze %dma_start3A_478 : memref<1x81x128xf32, #tpu.memory_space<hbm>> -> memref<81x128xf32, #tpu.memory_space<hbm>>
        %dma_start3A_480 = arith.constant 0 : i32
        %dma_start3A_481 = tpu.memref_slice %arg3[%add3A_458, %dma_start3A_480, %mul3A_476] : memref<784x81x1000xf32, #tpu.memory_space<hbm>> -> memref<1x81x128xf32, #tpu.memory_space<hbm>>
        %dma_start3A_482 = tpu.memref_squeeze %dma_start3A_481 : memref<1x81x128xf32, #tpu.memory_space<hbm>> -> memref<81x128xf32, #tpu.memory_space<hbm>>
        tpu.enqueue_dma source(%dma_start3A_482 : memref<81x128xf32, #tpu.memory_space<hbm>>) target(%arg7 : memref<81x128xf32, #tpu.memory_space<vmem>>) target_semaphore(%arg16 : memref<!tpu.dma_semaphore, #tpu.memory_space<semaphore_mem>>)
        %mul3A_483 = arith.constant 128 : i32
        %mul3A_484 = arith.muli %select_n3A_474, %mul3A_483 : i32
        %dma_start3A_485 = tpu.memref_slice %arg4[%add3A_458, %mul3A_484] : memref<784x1000xf32, #tpu.memory_space<hbm>> -> memref<1x128xf32, #tpu.memory_space<hbm>>
        %dma_start3A_486 = tpu.memref_squeeze %dma_start3A_485 : memref<1x128xf32, #tpu.memory_space<hbm>> -> memref<128xf32, #tpu.memory_space<hbm>>
        %dma_start3A_487 = tpu.memref_slice %arg4[%add3A_458, %mul3A_484] : memref<784x1000xf32, #tpu.memory_space<hbm>> -> memref<1x128xf32, #tpu.memory_space<hbm>>
        %dma_start3A_488 = tpu.memref_squeeze %dma_start3A_487 : memref<1x128xf32, #tpu.memory_space<hbm>> -> memref<128xf32, #tpu.memory_space<hbm>>
        tpu.enqueue_dma source(%dma_start3A_488 : memref<128xf32, #tpu.memory_space<hbm>>) target(%arg11 : memref<128xf32, #tpu.memory_space<vmem>>) target_semaphore(%arg20 : memref<!tpu.dma_semaphore, #tpu.memory_space<semaphore_mem>>)
      } else {
      }
      %mul3A_280 = arith.constant 4 : i32
      %mul3A_281 = arith.muli %scan3A_231, %mul3A_280 : i32
      %add3A_282 = arith.constant 1 : i32
      %add3A_283 = arith.addi %mul3A_281, %add3A_282 : i32
      %dma_wait3A_284 = arith.constant 720 : i32
      %dma_wait3A_285 = arith.constant 0 : i32
      %dma_wait3A_286 = arith.constant 0 : i32
      %dma_wait3A_287 = tpu.memref_slice %arg3[%dma_wait3A_284, %dma_wait3A_285, %dma_wait3A_286] : memref<784x81x1000xf32, #tpu.memory_space<hbm>> -> memref<1x81x128xf32, #tpu.memory_space<hbm>>
      %dma_wait3A_288 = tpu.memref_squeeze %dma_wait3A_287 : memref<1x81x128xf32, #tpu.memory_space<hbm>> -> memref<81x128xf32, #tpu.memory_space<hbm>>
      %dma_wait3A_289 = arith.constant 0 : i32
      %dma_wait3A_290 = arith.constant 0 : i32
      %dma_wait3A_291 = tpu.memref_slice %arg3[%dma_wait3A_284, %dma_wait3A_289, %dma_wait3A_290] : memref<784x81x1000xf32, #tpu.memory_space<hbm>> -> memref<1x81x128xf32, #tpu.memory_space<hbm>>
      %dma_wait3A_292 = tpu.memref_squeeze %dma_wait3A_291 : memref<1x81x128xf32, #tpu.memory_space<hbm>> -> memref<81x128xf32, #tpu.memory_space<hbm>>
      tpu.wait_dma2 semaphore(%arg17 : memref<!tpu.dma_semaphore, #tpu.memory_space<semaphore_mem>>) src(%dma_wait3A_292 : memref<81x128xf32, #tpu.memory_space<hbm>>) dst(%arg8 : memref<81x128xf32, #tpu.memory_space<vmem>>)
      %dma_wait3A_293 = arith.constant 720 : i32
      %dma_wait3A_294 = arith.constant 0 : i32
      %dma_wait3A_295 = tpu.memref_slice %arg4[%dma_wait3A_293, %dma_wait3A_294] : memref<784x1000xf32, #tpu.memory_space<hbm>> -> memref<1x128xf32, #tpu.memory_space<hbm>>
      %dma_wait3A_296 = tpu.memref_squeeze %dma_wait3A_295 : memref<1x128xf32, #tpu.memory_space<hbm>> -> memref<128xf32, #tpu.memory_space<hbm>>
      %dma_wait3A_297 = arith.constant 0 : i32
      %dma_wait3A_298 = tpu.memref_slice %arg4[%dma_wait3A_293, %dma_wait3A_297] : memref<784x1000xf32, #tpu.memory_space<hbm>> -> memref<1x128xf32, #tpu.memory_space<hbm>>
      %dma_wait3A_299 = tpu.memref_squeeze %dma_wait3A_298 : memref<1x128xf32, #tpu.memory_space<hbm>> -> memref<128xf32, #tpu.memory_space<hbm>>
      tpu.wait_dma2 semaphore(%arg21 : memref<!tpu.dma_semaphore, #tpu.memory_space<semaphore_mem>>) src(%dma_wait3A_299 : memref<128xf32, #tpu.memory_space<hbm>>) dst(%arg12 : memref<128xf32, #tpu.memory_space<vmem>>)
      %add3A_300 = arith.addi %mul3A_2, %add3A_283 : i32
      %jit3A_301 = arith.constant 8 : i32
      %eq3A_302 = arith.constant 0 : i32
      %eq3A_303 = arith.cmpi eq, %jit3A_301, %eq3A_302 : i32
      %jit3A_304 = arith.constant 1 : i32
      %select_n3A_305 = arith.select %eq3A_303, %jit3A_304, %jit3A_301 : i32
      %rem3A_306 = arith.remsi %add3A_300, %select_n3A_305 : i32
      %ne3A_307 = arith.constant 0 : i32
      %ne3A_308 = arith.cmpi ne, %rem3A_306, %ne3A_307 : i32
      %lt3A_309 = arith.constant 0 : i32
      %lt3A_310 = arith.cmpi slt, %rem3A_306, %lt3A_309 : i32
      %lt3A_311 = arith.constant 0 : i32
      %lt3A_312 = arith.cmpi slt, %select_n3A_305, %lt3A_311 : i32
      %ne3A_313 = arith.xori %lt3A_310, %lt3A_312 : i1
      %and3A_314 = arith.andi %ne3A_313, %ne3A_308 : i1
      %add3A_315 = arith.addi %rem3A_306, %select_n3A_305 : i32
      %select_n3A_316 = arith.select %and3A_314, %add3A_315, %rem3A_306 : i32
      %scan3A_317 = arith.constant 0 : i32
      %scan3A_318 = arith.constant 8 : i32
      %scan3A_319 = arith.addi %scan3A_317, %scan3A_318 : i32
      %scan3A_320 = arith.constant 1 : i32
      %scan3A_321 = scf.for %scan3A_430 = %scan3A_317 to %scan3A_319 step %scan3A_320 iter_args(%scan3A_431 = %scan3A_273) -> (vector<16xf32>)  : i32 {
        %mul3A_432 = arith.constant 128 : i32
        %mul3A_433 = arith.muli %select_n3A_316, %mul3A_432 : i32
        %mul3A_434 = arith.constant 16 : i32
        %mul3A_435 = arith.muli %scan3A_430, %mul3A_434 : i32
        %add3A_436 = arith.addi %mul3A_433, %mul3A_435 : i32
        %get3A = arith.index_cast %add3A_436 : i32 to index
        %get3A_437 = tpu.vector_load %arg6[%get3A] {strides = array<i32>} : memref<1024xi32, #tpu.memory_space<vmem>>, vector<16xi32>,
        %mul3A_438 = arith.constant 16 : i32
        %mul3A_439 = arith.muli %scan3A_430, %mul3A_438 : i32
        %add3A_440 = vector.broadcast %mul3A_439 : i32 to vector<16xi32>
        %add3A_441 = arith.addi %add3A_440, %iota3A : vector<16xi32>
        %gather3A = tpu.vector_load_idx %arg8[%get3A_437, %add3A_441] : memref<81x128xf32, #tpu.memory_space<vmem>>[vector<16xi32>, vector<16xi32>], vector<16xf32>,
        %mul3A_442 = arith.constant 16 : i32
        %mul3A_443 = arith.muli %scan3A_430, %mul3A_442 : i32
        %get3A_444 = arith.index_cast %mul3A_443 : i32 to index
        %get3A_445 = tpu.vector_load %arg12[%get3A_444] {strides = array<i32>} : memref<128xf32, #tpu.memory_space<vmem>>, vector<16xf32>,
        %gt3A = arith.constant 0 : i32
        %gt3A_446 = vector.broadcast %gt3A : i32 to vector<16xi32>
        %gt3A_447 = arith.cmpi sgt, %get3A_437, %gt3A_446 : vector<16xi32>
        %jit3A_448 = arith.constant 1.000000e+00 : f32
        %jit3A_449 = arith.constant 0.000000e+00 : f32
        %broadcast_in_dim3A_450 = vector.broadcast %jit3A_448 : f32 to vector<16xf32>
        %broadcast_in_dim3A_451 = vector.broadcast %jit3A_449 : f32 to vector<16xf32>
        %select_n3A_452 = arith.select %gt3A_447, %broadcast_in_dim3A_450, %broadcast_in_dim3A_451 : vector<16xi1>, vector<16xf32>
        %abs3A = math.absf %gather3A : vector<16xf32>
        %neg3A = arith.constant 0.000000e+00 : f32
        %neg3A_453 = vector.broadcast %neg3A : f32 to vector<16xf32>
        %neg3A_454 = arith.subf %neg3A_453, %abs3A : vector<16xf32>
        %exp3A = math.exp %neg3A_454 : vector<16xf32>
        %add3A_455 = arith.constant 2.000000e+00 : f32
        %add3A_456 = vector.broadcast %add3A_455 : f32 to vector<16xf32>
        %add3A_457 = arith.addf %add3A_456, %exp3A : vector<16xf32>
        %div3A_458 = arith.divf %exp3A, %add3A_457 : vector<16xf32>
        %mul3A_459 = arith.mulf %div3A_458, %div3A_458 : vector<16xf32>
        %mul3A_460 = arith.constant 0.222222224 : f32
        %mul3A_461 = vector.broadcast %mul3A_460 : f32 to vector<16xf32>
        %mul3A_462 = arith.mulf %mul3A_459, %mul3A_461 : vector<16xf32>
        %add3A_463 = arith.constant 0.285714298 : f32
        %add3A_464 = vector.broadcast %add3A_463 : f32 to vector<16xf32>
        %add3A_465 = arith.addf %add3A_464, %mul3A_462 : vector<16xf32>
        %mul3A_466 = arith.mulf %mul3A_459, %add3A_465 : vector<16xf32>
        %add3A_467 = arith.constant 4.000000e-01 : f32
        %add3A_468 = vector.broadcast %add3A_467 : f32 to vector<16xf32>
        %add3A_469 = arith.addf %add3A_468, %mul3A_466 : vector<16xf32>
        %mul3A_470 = arith.mulf %mul3A_459, %add3A_469 : vector<16xf32>
        %add3A_471 = arith.constant 0.666666686 : f32
        %add3A_472 = vector.broadcast %add3A_471 : f32 to vector<16xf32>
        %add3A_473 = arith.addf %add3A_472, %mul3A_470 : vector<16xf32>
        %mul3A_474 = arith.mulf %mul3A_459, %add3A_473 : vector<16xf32>
        %add3A_475 = arith.constant 2.000000e+00 : f32
        %add3A_476 = vector.broadcast %add3A_475 : f32 to vector<16xf32>
        %add3A_477 = arith.addf %add3A_476, %mul3A_474 : vector<16xf32>
        %mul3A_478 = arith.mulf %div3A_458, %add3A_477 : vector<16xf32>
        %max3A = arith.constant 0.000000e+00 : f32
        %max3A_479 = vector.broadcast %max3A : f32 to vector<16xf32>
        %max3A_480 = arith.maximumf %gather3A, %max3A_479 : vector<16xf32>
        %mul3A_481 = arith.mulf %gather3A, %get3A_445 : vector<16xf32>
        %sub3A_482 = arith.subf %max3A_480, %mul3A_481 : vector<16xf32>
        %add3A_483 = arith.addf %sub3A_482, %mul3A_478 : vector<16xf32>
        %mul3A_484 = arith.mulf %select_n3A_452, %add3A_483 : vector<16xf32>
        %add3A_485 = arith.addf %scan3A_431, %mul3A_484 : vector<16xf32>
        scf.yield %add3A_485 : vector<16xf32>
      }
      %scan3A_322 = arith.constant 8 : i32
      %add3A_323 = arith.constant 4 : i32
      %add3A_324 = arith.addi %add3A_283, %add3A_323 : i32
      %lt3A_325 = arith.constant 16 : i32
      %lt3A_326 = arith.cmpi slt, %add3A_324, %lt3A_325 : i32
      %convert_element_type3A_327 = arith.extui %lt3A_326 : i1 to i32
      %cond3A_328 = arith.constant 0 : i32
      %cond3A_329 = arith.cmpi ne, %convert_element_type3A_327, %cond3A_328 : i32
      scf.if %cond3A_329 {
        %add3A_430 = arith.constant 4 : i32
        %add3A_431 = arith.addi %add3A_283, %add3A_430 : i32
        %add3A_432 = arith.addi %mul3A_2, %add3A_431 : i32
        %jit3A_433 = arith.constant 8 : i32
        %div3A_434 = arith.divsi %add3A_432, %jit3A_433 : i32
        %sign3A_435 = arith.constant 0 : i32
        %sign3A_436 = arith.cmpi sgt, %add3A_432, %sign3A_435 : i32
        %sign3A_437 = arith.extui %sign3A_436 : i1 to i32
        %sign3A_438 = arith.constant 0 : i32
        %sign3A_439 = arith.cmpi slt, %add3A_432, %sign3A_438 : i32
        %sign3A_440 = arith.extui %sign3A_439 : i1 to i32
        %sign3A_441 = arith.subi %sign3A_437, %sign3A_440 : i32
        %sign3A_442 = arith.constant 0 : i32
        %sign3A_443 = arith.cmpi sgt, %jit3A_433, %sign3A_442 : i32
        %sign3A_444 = arith.extui %sign3A_443 : i1 to i32
        %sign3A_445 = arith.constant 0 : i32
        %sign3A_446 = arith.cmpi slt, %jit3A_433, %sign3A_445 : i32
        %sign3A_447 = arith.extui %sign3A_446 : i1 to i32
        %sign3A_448 = arith.subi %sign3A_444, %sign3A_447 : i32
        %ne3A_449 = arith.cmpi ne, %sign3A_441, %sign3A_448 : i32
        %rem3A_450 = arith.remsi %add3A_432, %jit3A_433 : i32
        %ne3A_451 = arith.constant 0 : i32
        %ne3A_452 = arith.cmpi ne, %rem3A_450, %ne3A_451 : i32
        %and3A_453 = arith.andi %ne3A_449, %ne3A_452 : i1
        %sub3A_454 = arith.constant 1 : i32
        %sub3A_455 = arith.subi %div3A_434, %sub3A_454 : i32
        %select_n3A_456 = arith.select %and3A_453, %sub3A_455, %div3A_434 : i32
        %add3A_457 = arith.constant 720 : i32
        %add3A_458 = arith.addi %add3A_457, %select_n3A_456 : i32
        %jit3A_459 = arith.constant 8 : i32
        %eq3A_460 = arith.constant 0 : i32
        %eq3A_461 = arith.cmpi eq, %jit3A_459, %eq3A_460 : i32
        %jit3A_462 = arith.constant 1 : i32
        %select_n3A_463 = arith.select %eq3A_461, %jit3A_462, %jit3A_459 : i32
        %rem3A_464 = arith.remsi %add3A_432, %select_n3A_463 : i32
        %ne3A_465 = arith.constant 0 : i32
        %ne3A_466 = arith.cmpi ne, %rem3A_464, %ne3A_465 : i32
        %lt3A_467 = arith.constant 0 : i32
        %lt3A_468 = arith.cmpi slt, %rem3A_464, %lt3A_467 : i32
        %lt3A_469 = arith.constant 0 : i32
        %lt3A_470 = arith.cmpi slt, %select_n3A_463, %lt3A_469 : i32
        %ne3A_471 = arith.xori %lt3A_468, %lt3A_470 : i1
        %and3A_472 = arith.andi %ne3A_471, %ne3A_466 : i1
        %add3A_473 = arith.addi %rem3A_464, %select_n3A_463 : i32
        %select_n3A_474 = arith.select %and3A_472, %add3A_473, %rem3A_464 : i32
        %mul3A_475 = arith.constant 128 : i32
        %mul3A_476 = arith.muli %select_n3A_474, %mul3A_475 : i32
        %dma_start3A_477 = arith.constant 0 : i32
        %dma_start3A_478 = tpu.memref_slice %arg3[%add3A_458, %dma_start3A_477, %mul3A_476] : memref<784x81x1000xf32, #tpu.memory_space<hbm>> -> memref<1x81x128xf32, #tpu.memory_space<hbm>>
        %dma_start3A_479 = tpu.memref_squeeze %dma_start3A_478 : memref<1x81x128xf32, #tpu.memory_space<hbm>> -> memref<81x128xf32, #tpu.memory_space<hbm>>
        %dma_start3A_480 = arith.constant 0 : i32
        %dma_start3A_481 = tpu.memref_slice %arg3[%add3A_458, %dma_start3A_480, %mul3A_476] : memref<784x81x1000xf32, #tpu.memory_space<hbm>> -> memref<1x81x128xf32, #tpu.memory_space<hbm>>
        %dma_start3A_482 = tpu.memref_squeeze %dma_start3A_481 : memref<1x81x128xf32, #tpu.memory_space<hbm>> -> memref<81x128xf32, #tpu.memory_space<hbm>>
        tpu.enqueue_dma source(%dma_start3A_482 : memref<81x128xf32, #tpu.memory_space<hbm>>) target(%arg8 : memref<81x128xf32, #tpu.memory_space<vmem>>) target_semaphore(%arg17 : memref<!tpu.dma_semaphore, #tpu.memory_space<semaphore_mem>>)
        %mul3A_483 = arith.constant 128 : i32
        %mul3A_484 = arith.muli %select_n3A_474, %mul3A_483 : i32
        %dma_start3A_485 = tpu.memref_slice %arg4[%add3A_458, %mul3A_484] : memref<784x1000xf32, #tpu.memory_space<hbm>> -> memref<1x128xf32, #tpu.memory_space<hbm>>
        %dma_start3A_486 = tpu.memref_squeeze %dma_start3A_485 : memref<1x128xf32, #tpu.memory_space<hbm>> -> memref<128xf32, #tpu.memory_space<hbm>>
        %dma_start3A_487 = tpu.memref_slice %arg4[%add3A_458, %mul3A_484] : memref<784x1000xf32, #tpu.memory_space<hbm>> -> memref<1x128xf32, #tpu.memory_space<hbm>>
        %dma_start3A_488 = tpu.memref_squeeze %dma_start3A_487 : memref<1x128xf32, #tpu.memory_space<hbm>> -> memref<128xf32, #tpu.memory_space<hbm>>
        tpu.enqueue_dma source(%dma_start3A_488 : memref<128xf32, #tpu.memory_space<hbm>>) target(%arg12 : memref<128xf32, #tpu.memory_space<vmem>>) target_semaphore(%arg21 : memref<!tpu.dma_semaphore, #tpu.memory_space<semaphore_mem>>)
      } else {
      }
      %mul3A_330 = arith.constant 4 : i32
      %mul3A_331 = arith.muli %scan3A_231, %mul3A_330 : i32
      %add3A_332 = arith.constant 2 : i32
      %add3A_333 = arith.addi %mul3A_331, %add3A_332 : i32
      %dma_wait3A_334 = arith.constant 720 : i32
      %dma_wait3A_335 = arith.constant 0 : i32
      %dma_wait3A_336 = arith.constant 0 : i32
      %dma_wait3A_337 = tpu.memref_slice %arg3[%dma_wait3A_334, %dma_wait3A_335, %dma_wait3A_336] : memref<784x81x1000xf32, #tpu.memory_space<hbm>> -> memref<1x81x128xf32, #tpu.memory_space<hbm>>
      %dma_wait3A_338 = tpu.memref_squeeze %dma_wait3A_337 : memref<1x81x128xf32, #tpu.memory_space<hbm>> -> memref<81x128xf32, #tpu.memory_space<hbm>>
      %dma_wait3A_339 = arith.constant 0 : i32
      %dma_wait3A_340 = arith.constant 0 : i32
      %dma_wait3A_341 = tpu.memref_slice %arg3[%dma_wait3A_334, %dma_wait3A_339, %dma_wait3A_340] : memref<784x81x1000xf32, #tpu.memory_space<hbm>> -> memref<1x81x128xf32, #tpu.memory_space<hbm>>
      %dma_wait3A_342 = tpu.memref_squeeze %dma_wait3A_341 : memref<1x81x128xf32, #tpu.memory_space<hbm>> -> memref<81x128xf32, #tpu.memory_space<hbm>>
      tpu.wait_dma2 semaphore(%arg18 : memref<!tpu.dma_semaphore, #tpu.memory_space<semaphore_mem>>) src(%dma_wait3A_342 : memref<81x128xf32, #tpu.memory_space<hbm>>) dst(%arg9 : memref<81x128xf32, #tpu.memory_space<vmem>>)
      %dma_wait3A_343 = arith.constant 720 : i32
      %dma_wait3A_344 = arith.constant 0 : i32
      %dma_wait3A_345 = tpu.memref_slice %arg4[%dma_wait3A_343, %dma_wait3A_344] : memref<784x1000xf32, #tpu.memory_space<hbm>> -> memref<1x128xf32, #tpu.memory_space<hbm>>
      %dma_wait3A_346 = tpu.memref_squeeze %dma_wait3A_345 : memref<1x128xf32, #tpu.memory_space<hbm>> -> memref<128xf32, #tpu.memory_space<hbm>>
      %dma_wait3A_347 = arith.constant 0 : i32
      %dma_wait3A_348 = tpu.memref_slice %arg4[%dma_wait3A_343, %dma_wait3A_347] : memref<784x1000xf32, #tpu.memory_space<hbm>> -> memref<1x128xf32, #tpu.memory_space<hbm>>
      %dma_wait3A_349 = tpu.memref_squeeze %dma_wait3A_348 : memref<1x128xf32, #tpu.memory_space<hbm>> -> memref<128xf32, #tpu.memory_space<hbm>>
      tpu.wait_dma2 semaphore(%arg22 : memref<!tpu.dma_semaphore, #tpu.memory_space<semaphore_mem>>) src(%dma_wait3A_349 : memref<128xf32, #tpu.memory_space<hbm>>) dst(%arg13 : memref<128xf32, #tpu.memory_space<vmem>>)
      %add3A_350 = arith.addi %mul3A_2, %add3A_333 : i32
      %jit3A_351 = arith.constant 8 : i32
      %eq3A_352 = arith.constant 0 : i32
      %eq3A_353 = arith.cmpi eq, %jit3A_351, %eq3A_352 : i32
      %jit3A_354 = arith.constant 1 : i32
      %select_n3A_355 = arith.select %eq3A_353, %jit3A_354, %jit3A_351 : i32
      %rem3A_356 = arith.remsi %add3A_350, %select_n3A_355 : i32
      %ne3A_357 = arith.constant 0 : i32
      %ne3A_358 = arith.cmpi ne, %rem3A_356, %ne3A_357 : i32
      %lt3A_359 = arith.constant 0 : i32
      %lt3A_360 = arith.cmpi slt, %rem3A_356, %lt3A_359 : i32
      %lt3A_361 = arith.constant 0 : i32
      %lt3A_362 = arith.cmpi slt, %select_n3A_355, %lt3A_361 : i32
      %ne3A_363 = arith.xori %lt3A_360, %lt3A_362 : i1
      %and3A_364 = arith.andi %ne3A_363, %ne3A_358 : i1
      %add3A_365 = arith.addi %rem3A_356, %select_n3A_355 : i32
      %select_n3A_366 = arith.select %and3A_364, %add3A_365, %rem3A_356 : i32
      %scan3A_367 = arith.constant 0 : i32
      %scan3A_368 = arith.constant 8 : i32
      %scan3A_369 = arith.addi %scan3A_367, %scan3A_368 : i32
      %scan3A_370 = arith.constant 1 : i32
      %scan3A_371 = scf.for %scan3A_430 = %scan3A_367 to %scan3A_369 step %scan3A_370 iter_args(%scan3A_431 = %scan3A_321) -> (vector<16xf32>)  : i32 {
        %mul3A_432 = arith.constant 128 : i32
        %mul3A_433 = arith.muli %select_n3A_366, %mul3A_432 : i32
        %mul3A_434 = arith.constant 16 : i32
        %mul3A_435 = arith.muli %scan3A_430, %mul3A_434 : i32
        %add3A_436 = arith.addi %mul3A_433, %mul3A_435 : i32
        %get3A = arith.index_cast %add3A_436 : i32 to index
        %get3A_437 = tpu.vector_load %arg6[%get3A] {strides = array<i32>} : memref<1024xi32, #tpu.memory_space<vmem>>, vector<16xi32>,
        %mul3A_438 = arith.constant 16 : i32
        %mul3A_439 = arith.muli %scan3A_430, %mul3A_438 : i32
        %add3A_440 = vector.broadcast %mul3A_439 : i32 to vector<16xi32>
        %add3A_441 = arith.addi %add3A_440, %iota3A : vector<16xi32>
        %gather3A = tpu.vector_load_idx %arg9[%get3A_437, %add3A_441] : memref<81x128xf32, #tpu.memory_space<vmem>>[vector<16xi32>, vector<16xi32>], vector<16xf32>,
        %mul3A_442 = arith.constant 16 : i32
        %mul3A_443 = arith.muli %scan3A_430, %mul3A_442 : i32
        %get3A_444 = arith.index_cast %mul3A_443 : i32 to index
        %get3A_445 = tpu.vector_load %arg13[%get3A_444] {strides = array<i32>} : memref<128xf32, #tpu.memory_space<vmem>>, vector<16xf32>,
        %gt3A = arith.constant 0 : i32
        %gt3A_446 = vector.broadcast %gt3A : i32 to vector<16xi32>
        %gt3A_447 = arith.cmpi sgt, %get3A_437, %gt3A_446 : vector<16xi32>
        %jit3A_448 = arith.constant 1.000000e+00 : f32
        %jit3A_449 = arith.constant 0.000000e+00 : f32
        %broadcast_in_dim3A_450 = vector.broadcast %jit3A_448 : f32 to vector<16xf32>
        %broadcast_in_dim3A_451 = vector.broadcast %jit3A_449 : f32 to vector<16xf32>
        %select_n3A_452 = arith.select %gt3A_447, %broadcast_in_dim3A_450, %broadcast_in_dim3A_451 : vector<16xi1>, vector<16xf32>
        %abs3A = math.absf %gather3A : vector<16xf32>
        %neg3A = arith.constant 0.000000e+00 : f32
        %neg3A_453 = vector.broadcast %neg3A : f32 to vector<16xf32>
        %neg3A_454 = arith.subf %neg3A_453, %abs3A : vector<16xf32>
        %exp3A = math.exp %neg3A_454 : vector<16xf32>
        %add3A_455 = arith.constant 2.000000e+00 : f32
        %add3A_456 = vector.broadcast %add3A_455 : f32 to vector<16xf32>
        %add3A_457 = arith.addf %add3A_456, %exp3A : vector<16xf32>
        %div3A_458 = arith.divf %exp3A, %add3A_457 : vector<16xf32>
        %mul3A_459 = arith.mulf %div3A_458, %div3A_458 : vector<16xf32>
        %mul3A_460 = arith.constant 0.222222224 : f32
        %mul3A_461 = vector.broadcast %mul3A_460 : f32 to vector<16xf32>
        %mul3A_462 = arith.mulf %mul3A_459, %mul3A_461 : vector<16xf32>
        %add3A_463 = arith.constant 0.285714298 : f32
        %add3A_464 = vector.broadcast %add3A_463 : f32 to vector<16xf32>
        %add3A_465 = arith.addf %add3A_464, %mul3A_462 : vector<16xf32>
        %mul3A_466 = arith.mulf %mul3A_459, %add3A_465 : vector<16xf32>
        %add3A_467 = arith.constant 4.000000e-01 : f32
        %add3A_468 = vector.broadcast %add3A_467 : f32 to vector<16xf32>
        %add3A_469 = arith.addf %add3A_468, %mul3A_466 : vector<16xf32>
        %mul3A_470 = arith.mulf %mul3A_459, %add3A_469 : vector<16xf32>
        %add3A_471 = arith.constant 0.666666686 : f32
        %add3A_472 = vector.broadcast %add3A_471 : f32 to vector<16xf32>
        %add3A_473 = arith.addf %add3A_472, %mul3A_470 : vector<16xf32>
        %mul3A_474 = arith.mulf %mul3A_459, %add3A_473 : vector<16xf32>
        %add3A_475 = arith.constant 2.000000e+00 : f32
        %add3A_476 = vector.broadcast %add3A_475 : f32 to vector<16xf32>
        %add3A_477 = arith.addf %add3A_476, %mul3A_474 : vector<16xf32>
        %mul3A_478 = arith.mulf %div3A_458, %add3A_477 : vector<16xf32>
        %max3A = arith.constant 0.000000e+00 : f32
        %max3A_479 = vector.broadcast %max3A : f32 to vector<16xf32>
        %max3A_480 = arith.maximumf %gather3A, %max3A_479 : vector<16xf32>
        %mul3A_481 = arith.mulf %gather3A, %get3A_445 : vector<16xf32>
        %sub3A_482 = arith.subf %max3A_480, %mul3A_481 : vector<16xf32>
        %add3A_483 = arith.addf %sub3A_482, %mul3A_478 : vector<16xf32>
        %mul3A_484 = arith.mulf %select_n3A_452, %add3A_483 : vector<16xf32>
        %add3A_485 = arith.addf %scan3A_431, %mul3A_484 : vector<16xf32>
        scf.yield %add3A_485 : vector<16xf32>
      }
      %scan3A_372 = arith.constant 8 : i32
      %add3A_373 = arith.constant 4 : i32
      %add3A_374 = arith.addi %add3A_333, %add3A_373 : i32
      %lt3A_375 = arith.constant 16 : i32
      %lt3A_376 = arith.cmpi slt, %add3A_374, %lt3A_375 : i32
      %convert_element_type3A_377 = arith.extui %lt3A_376 : i1 to i32
      %cond3A_378 = arith.constant 0 : i32
      %cond3A_379 = arith.cmpi ne, %convert_element_type3A_377, %cond3A_378 : i32
      scf.if %cond3A_379 {
        %add3A_430 = arith.constant 4 : i32
        %add3A_431 = arith.addi %add3A_333, %add3A_430 : i32
        %add3A_432 = arith.addi %mul3A_2, %add3A_431 : i32
        %jit3A_433 = arith.constant 8 : i32
        %div3A_434 = arith.divsi %add3A_432, %jit3A_433 : i32
        %sign3A_435 = arith.constant 0 : i32
        %sign3A_436 = arith.cmpi sgt, %add3A_432, %sign3A_435 : i32
        %sign3A_437 = arith.extui %sign3A_436 : i1 to i32
        %sign3A_438 = arith.constant 0 : i32
        %sign3A_439 = arith.cmpi slt, %add3A_432, %sign3A_438 : i32
        %sign3A_440 = arith.extui %sign3A_439 : i1 to i32
        %sign3A_441 = arith.subi %sign3A_437, %sign3A_440 : i32
        %sign3A_442 = arith.constant 0 : i32
        %sign3A_443 = arith.cmpi sgt, %jit3A_433, %sign3A_442 : i32
        %sign3A_444 = arith.extui %sign3A_443 : i1 to i32
        %sign3A_445 = arith.constant 0 : i32
        %sign3A_446 = arith.cmpi slt, %jit3A_433, %sign3A_445 : i32
        %sign3A_447 = arith.extui %sign3A_446 : i1 to i32
        %sign3A_448 = arith.subi %sign3A_444, %sign3A_447 : i32
        %ne3A_449 = arith.cmpi ne, %sign3A_441, %sign3A_448 : i32
        %rem3A_450 = arith.remsi %add3A_432, %jit3A_433 : i32
        %ne3A_451 = arith.constant 0 : i32
        %ne3A_452 = arith.cmpi ne, %rem3A_450, %ne3A_451 : i32
        %and3A_453 = arith.andi %ne3A_449, %ne3A_452 : i1
        %sub3A_454 = arith.constant 1 : i32
        %sub3A_455 = arith.subi %div3A_434, %sub3A_454 : i32
        %select_n3A_456 = arith.select %and3A_453, %sub3A_455, %div3A_434 : i32
        %add3A_457 = arith.constant 720 : i32
        %add3A_458 = arith.addi %add3A_457, %select_n3A_456 : i32
        %jit3A_459 = arith.constant 8 : i32
        %eq3A_460 = arith.constant 0 : i32
        %eq3A_461 = arith.cmpi eq, %jit3A_459, %eq3A_460 : i32
        %jit3A_462 = arith.constant 1 : i32
        %select_n3A_463 = arith.select %eq3A_461, %jit3A_462, %jit3A_459 : i32
        %rem3A_464 = arith.remsi %add3A_432, %select_n3A_463 : i32
        %ne3A_465 = arith.constant 0 : i32
        %ne3A_466 = arith.cmpi ne, %rem3A_464, %ne3A_465 : i32
        %lt3A_467 = arith.constant 0 : i32
        %lt3A_468 = arith.cmpi slt, %rem3A_464, %lt3A_467 : i32
        %lt3A_469 = arith.constant 0 : i32
        %lt3A_470 = arith.cmpi slt, %select_n3A_463, %lt3A_469 : i32
        %ne3A_471 = arith.xori %lt3A_468, %lt3A_470 : i1
        %and3A_472 = arith.andi %ne3A_471, %ne3A_466 : i1
        %add3A_473 = arith.addi %rem3A_464, %select_n3A_463 : i32
        %select_n3A_474 = arith.select %and3A_472, %add3A_473, %rem3A_464 : i32
        %mul3A_475 = arith.constant 128 : i32
        %mul3A_476 = arith.muli %select_n3A_474, %mul3A_475 : i32
        %dma_start3A_477 = arith.constant 0 : i32
        %dma_start3A_478 = tpu.memref_slice %arg3[%add3A_458, %dma_start3A_477, %mul3A_476] : memref<784x81x1000xf32, #tpu.memory_space<hbm>> -> memref<1x81x128xf32, #tpu.memory_space<hbm>>
        %dma_start3A_479 = tpu.memref_squeeze %dma_start3A_478 : memref<1x81x128xf32, #tpu.memory_space<hbm>> -> memref<81x128xf32, #tpu.memory_space<hbm>>
        %dma_start3A_480 = arith.constant 0 : i32
        %dma_start3A_481 = tpu.memref_slice %arg3[%add3A_458, %dma_start3A_480, %mul3A_476] : memref<784x81x1000xf32, #tpu.memory_space<hbm>> -> memref<1x81x128xf32, #tpu.memory_space<hbm>>
        %dma_start3A_482 = tpu.memref_squeeze %dma_start3A_481 : memref<1x81x128xf32, #tpu.memory_space<hbm>> -> memref<81x128xf32, #tpu.memory_space<hbm>>
        tpu.enqueue_dma source(%dma_start3A_482 : memref<81x128xf32, #tpu.memory_space<hbm>>) target(%arg9 : memref<81x128xf32, #tpu.memory_space<vmem>>) target_semaphore(%arg18 : memref<!tpu.dma_semaphore, #tpu.memory_space<semaphore_mem>>)
        %mul3A_483 = arith.constant 128 : i32
        %mul3A_484 = arith.muli %select_n3A_474, %mul3A_483 : i32
        %dma_start3A_485 = tpu.memref_slice %arg4[%add3A_458, %mul3A_484] : memref<784x1000xf32, #tpu.memory_space<hbm>> -> memref<1x128xf32, #tpu.memory_space<hbm>>
        %dma_start3A_486 = tpu.memref_squeeze %dma_start3A_485 : memref<1x128xf32, #tpu.memory_space<hbm>> -> memref<128xf32, #tpu.memory_space<hbm>>
        %dma_start3A_487 = tpu.memref_slice %arg4[%add3A_458, %mul3A_484] : memref<784x1000xf32, #tpu.memory_space<hbm>> -> memref<1x128xf32, #tpu.memory_space<hbm>>
        %dma_start3A_488 = tpu.memref_squeeze %dma_start3A_487 : memref<1x128xf32, #tpu.memory_space<hbm>> -> memref<128xf32, #tpu.memory_space<hbm>>
        tpu.enqueue_dma source(%dma_start3A_488 : memref<128xf32, #tpu.memory_space<hbm>>) target(%arg13 : memref<128xf32, #tpu.memory_space<vmem>>) target_semaphore(%arg22 : memref<!tpu.dma_semaphore, #tpu.memory_space<semaphore_mem>>)
      } else {
      }
      %mul3A_380 = arith.constant 4 : i32
      %mul3A_381 = arith.muli %scan3A_231, %mul3A_380 : i32
      %add3A_382 = arith.constant 3 : i32
      %add3A_383 = arith.addi %mul3A_381, %add3A_382 : i32
      %dma_wait3A_384 = arith.constant 720 : i32
      %dma_wait3A_385 = arith.constant 0 : i32
      %dma_wait3A_386 = arith.constant 0 : i32
      %dma_wait3A_387 = tpu.memref_slice %arg3[%dma_wait3A_384, %dma_wait3A_385, %dma_wait3A_386] : memref<784x81x1000xf32, #tpu.memory_space<hbm>> -> memref<1x81x128xf32, #tpu.memory_space<hbm>>
      %dma_wait3A_388 = tpu.memref_squeeze %dma_wait3A_387 : memref<1x81x128xf32, #tpu.memory_space<hbm>> -> memref<81x128xf32, #tpu.memory_space<hbm>>
      %dma_wait3A_389 = arith.constant 0 : i32
      %dma_wait3A_390 = arith.constant 0 : i32
      %dma_wait3A_391 = tpu.memref_slice %arg3[%dma_wait3A_384, %dma_wait3A_389, %dma_wait3A_390] : memref<784x81x1000xf32, #tpu.memory_space<hbm>> -> memref<1x81x128xf32, #tpu.memory_space<hbm>>
      %dma_wait3A_392 = tpu.memref_squeeze %dma_wait3A_391 : memref<1x81x128xf32, #tpu.memory_space<hbm>> -> memref<81x128xf32, #tpu.memory_space<hbm>>
      tpu.wait_dma2 semaphore(%arg19 : memref<!tpu.dma_semaphore, #tpu.memory_space<semaphore_mem>>) src(%dma_wait3A_392 : memref<81x128xf32, #tpu.memory_space<hbm>>) dst(%arg10 : memref<81x128xf32, #tpu.memory_space<vmem>>)
      %dma_wait3A_393 = arith.constant 720 : i32
      %dma_wait3A_394 = arith.constant 0 : i32
      %dma_wait3A_395 = tpu.memref_slice %arg4[%dma_wait3A_393, %dma_wait3A_394] : memref<784x1000xf32, #tpu.memory_space<hbm>> -> memref<1x128xf32, #tpu.memory_space<hbm>>
      %dma_wait3A_396 = tpu.memref_squeeze %dma_wait3A_395 : memref<1x128xf32, #tpu.memory_space<hbm>> -> memref<128xf32, #tpu.memory_space<hbm>>
      %dma_wait3A_397 = arith.constant 0 : i32
      %dma_wait3A_398 = tpu.memref_slice %arg4[%dma_wait3A_393, %dma_wait3A_397] : memref<784x1000xf32, #tpu.memory_space<hbm>> -> memref<1x128xf32, #tpu.memory_space<hbm>>
      %dma_wait3A_399 = tpu.memref_squeeze %dma_wait3A_398 : memref<1x128xf32, #tpu.memory_space<hbm>> -> memref<128xf32, #tpu.memory_space<hbm>>
      tpu.wait_dma2 semaphore(%arg23 : memref<!tpu.dma_semaphore, #tpu.memory_space<semaphore_mem>>) src(%dma_wait3A_399 : memref<128xf32, #tpu.memory_space<hbm>>) dst(%arg14 : memref<128xf32, #tpu.memory_space<vmem>>)
      %add3A_400 = arith.addi %mul3A_2, %add3A_383 : i32
      %jit3A_401 = arith.constant 8 : i32
      %eq3A_402 = arith.constant 0 : i32
      %eq3A_403 = arith.cmpi eq, %jit3A_401, %eq3A_402 : i32
      %jit3A_404 = arith.constant 1 : i32
      %select_n3A_405 = arith.select %eq3A_403, %jit3A_404, %jit3A_401 : i32
      %rem3A_406 = arith.remsi %add3A_400, %select_n3A_405 : i32
      %ne3A_407 = arith.constant 0 : i32
      %ne3A_408 = arith.cmpi ne, %rem3A_406, %ne3A_407 : i32
      %lt3A_409 = arith.constant 0 : i32
      %lt3A_410 = arith.cmpi slt, %rem3A_406, %lt3A_409 : i32
      %lt3A_411 = arith.constant 0 : i32
      %lt3A_412 = arith.cmpi slt, %select_n3A_405, %lt3A_411 : i32
      %ne3A_413 = arith.xori %lt3A_410, %lt3A_412 : i1
      %and3A_414 = arith.andi %ne3A_413, %ne3A_408 : i1
      %add3A_415 = arith.addi %rem3A_406, %select_n3A_405 : i32
      %select_n3A_416 = arith.select %and3A_414, %add3A_415, %rem3A_406 : i32
      %scan3A_417 = arith.constant 0 : i32
      %scan3A_418 = arith.constant 8 : i32
      %scan3A_419 = arith.addi %scan3A_417, %scan3A_418 : i32
      %scan3A_420 = arith.constant 1 : i32
      %scan3A_421 = scf.for %scan3A_430 = %scan3A_417 to %scan3A_419 step %scan3A_420 iter_args(%scan3A_431 = %scan3A_371) -> (vector<16xf32>)  : i32 {
        %mul3A_432 = arith.constant 128 : i32
        %mul3A_433 = arith.muli %select_n3A_416, %mul3A_432 : i32
        %mul3A_434 = arith.constant 16 : i32
        %mul3A_435 = arith.muli %scan3A_430, %mul3A_434 : i32
        %add3A_436 = arith.addi %mul3A_433, %mul3A_435 : i32
        %get3A = arith.index_cast %add3A_436 : i32 to index
        %get3A_437 = tpu.vector_load %arg6[%get3A] {strides = array<i32>} : memref<1024xi32, #tpu.memory_space<vmem>>, vector<16xi32>,
        %mul3A_438 = arith.constant 16 : i32
        %mul3A_439 = arith.muli %scan3A_430, %mul3A_438 : i32
        %add3A_440 = vector.broadcast %mul3A_439 : i32 to vector<16xi32>
        %add3A_441 = arith.addi %add3A_440, %iota3A : vector<16xi32>
        %gather3A = tpu.vector_load_idx %arg10[%get3A_437, %add3A_441] : memref<81x128xf32, #tpu.memory_space<vmem>>[vector<16xi32>, vector<16xi32>], vector<16xf32>,
        %mul3A_442 = arith.constant 16 : i32
        %mul3A_443 = arith.muli %scan3A_430, %mul3A_442 : i32
        %get3A_444 = arith.index_cast %mul3A_443 : i32 to index
        %get3A_445 = tpu.vector_load %arg14[%get3A_444] {strides = array<i32>} : memref<128xf32, #tpu.memory_space<vmem>>, vector<16xf32>,
        %gt3A = arith.constant 0 : i32
        %gt3A_446 = vector.broadcast %gt3A : i32 to vector<16xi32>
        %gt3A_447 = arith.cmpi sgt, %get3A_437, %gt3A_446 : vector<16xi32>
        %jit3A_448 = arith.constant 1.000000e+00 : f32
        %jit3A_449 = arith.constant 0.000000e+00 : f32
        %broadcast_in_dim3A_450 = vector.broadcast %jit3A_448 : f32 to vector<16xf32>
        %broadcast_in_dim3A_451 = vector.broadcast %jit3A_449 : f32 to vector<16xf32>
        %select_n3A_452 = arith.select %gt3A_447, %broadcast_in_dim3A_450, %broadcast_in_dim3A_451 : vector<16xi1>, vector<16xf32>
        %abs3A = math.absf %gather3A : vector<16xf32>
        %neg3A = arith.constant 0.000000e+00 : f32
        %neg3A_453 = vector.broadcast %neg3A : f32 to vector<16xf32>
        %neg3A_454 = arith.subf %neg3A_453, %abs3A : vector<16xf32>
        %exp3A = math.exp %neg3A_454 : vector<16xf32>
        %add3A_455 = arith.constant 2.000000e+00 : f32
        %add3A_456 = vector.broadcast %add3A_455 : f32 to vector<16xf32>
        %add3A_457 = arith.addf %add3A_456, %exp3A : vector<16xf32>
        %div3A_458 = arith.divf %exp3A, %add3A_457 : vector<16xf32>
        %mul3A_459 = arith.mulf %div3A_458, %div3A_458 : vector<16xf32>
        %mul3A_460 = arith.constant 0.222222224 : f32
        %mul3A_461 = vector.broadcast %mul3A_460 : f32 to vector<16xf32>
        %mul3A_462 = arith.mulf %mul3A_459, %mul3A_461 : vector<16xf32>
        %add3A_463 = arith.constant 0.285714298 : f32
        %add3A_464 = vector.broadcast %add3A_463 : f32 to vector<16xf32>
        %add3A_465 = arith.addf %add3A_464, %mul3A_462 : vector<16xf32>
        %mul3A_466 = arith.mulf %mul3A_459, %add3A_465 : vector<16xf32>
        %add3A_467 = arith.constant 4.000000e-01 : f32
        %add3A_468 = vector.broadcast %add3A_467 : f32 to vector<16xf32>
        %add3A_469 = arith.addf %add3A_468, %mul3A_466 : vector<16xf32>
        %mul3A_470 = arith.mulf %mul3A_459, %add3A_469 : vector<16xf32>
        %add3A_471 = arith.constant 0.666666686 : f32
        %add3A_472 = vector.broadcast %add3A_471 : f32 to vector<16xf32>
        %add3A_473 = arith.addf %add3A_472, %mul3A_470 : vector<16xf32>
        %mul3A_474 = arith.mulf %mul3A_459, %add3A_473 : vector<16xf32>
        %add3A_475 = arith.constant 2.000000e+00 : f32
        %add3A_476 = vector.broadcast %add3A_475 : f32 to vector<16xf32>
        %add3A_477 = arith.addf %add3A_476, %mul3A_474 : vector<16xf32>
        %mul3A_478 = arith.mulf %div3A_458, %add3A_477 : vector<16xf32>
        %max3A = arith.constant 0.000000e+00 : f32
        %max3A_479 = vector.broadcast %max3A : f32 to vector<16xf32>
        %max3A_480 = arith.maximumf %gather3A, %max3A_479 : vector<16xf32>
        %mul3A_481 = arith.mulf %gather3A, %get3A_445 : vector<16xf32>
        %sub3A_482 = arith.subf %max3A_480, %mul3A_481 : vector<16xf32>
        %add3A_483 = arith.addf %sub3A_482, %mul3A_478 : vector<16xf32>
        %mul3A_484 = arith.mulf %select_n3A_452, %add3A_483 : vector<16xf32>
        %add3A_485 = arith.addf %scan3A_431, %mul3A_484 : vector<16xf32>
        scf.yield %add3A_485 : vector<16xf32>
      }
      %scan3A_422 = arith.constant 8 : i32
      %add3A_423 = arith.constant 4 : i32
      %add3A_424 = arith.addi %add3A_383, %add3A_423 : i32
      %lt3A_425 = arith.constant 16 : i32
      %lt3A_426 = arith.cmpi slt, %add3A_424, %lt3A_425 : i32
      %convert_element_type3A_427 = arith.extui %lt3A_426 : i1 to i32
      %cond3A_428 = arith.constant 0 : i32
      %cond3A_429 = arith.cmpi ne, %convert_element_type3A_427, %cond3A_428 : i32
      scf.if %cond3A_429 {
        %add3A_430 = arith.constant 4 : i32
        %add3A_431 = arith.addi %add3A_383, %add3A_430 : i32
        %add3A_432 = arith.addi %mul3A_2, %add3A_431 : i32
        %jit3A_433 = arith.constant 8 : i32
        %div3A_434 = arith.divsi %add3A_432, %jit3A_433 : i32
        %sign3A_435 = arith.constant 0 : i32
        %sign3A_436 = arith.cmpi sgt, %add3A_432, %sign3A_435 : i32
        %sign3A_437 = arith.extui %sign3A_436 : i1 to i32
        %sign3A_438 = arith.constant 0 : i32
        %sign3A_439 = arith.cmpi slt, %add3A_432, %sign3A_438 : i32
        %sign3A_440 = arith.extui %sign3A_439 : i1 to i32
        %sign3A_441 = arith.subi %sign3A_437, %sign3A_440 : i32
        %sign3A_442 = arith.constant 0 : i32
        %sign3A_443 = arith.cmpi sgt, %jit3A_433, %sign3A_442 : i32
        %sign3A_444 = arith.extui %sign3A_443 : i1 to i32
        %sign3A_445 = arith.constant 0 : i32
        %sign3A_446 = arith.cmpi slt, %jit3A_433, %sign3A_445 : i32
        %sign3A_447 = arith.extui %sign3A_446 : i1 to i32
        %sign3A_448 = arith.subi %sign3A_444, %sign3A_447 : i32
        %ne3A_449 = arith.cmpi ne, %sign3A_441, %sign3A_448 : i32
        %rem3A_450 = arith.remsi %add3A_432, %jit3A_433 : i32
        %ne3A_451 = arith.constant 0 : i32
        %ne3A_452 = arith.cmpi ne, %rem3A_450, %ne3A_451 : i32
        %and3A_453 = arith.andi %ne3A_449, %ne3A_452 : i1
        %sub3A_454 = arith.constant 1 : i32
        %sub3A_455 = arith.subi %div3A_434, %sub3A_454 : i32
        %select_n3A_456 = arith.select %and3A_453, %sub3A_455, %div3A_434 : i32
        %add3A_457 = arith.constant 720 : i32
        %add3A_458 = arith.addi %add3A_457, %select_n3A_456 : i32
        %jit3A_459 = arith.constant 8 : i32
        %eq3A_460 = arith.constant 0 : i32
        %eq3A_461 = arith.cmpi eq, %jit3A_459, %eq3A_460 : i32
        %jit3A_462 = arith.constant 1 : i32
        %select_n3A_463 = arith.select %eq3A_461, %jit3A_462, %jit3A_459 : i32
        %rem3A_464 = arith.remsi %add3A_432, %select_n3A_463 : i32
        %ne3A_465 = arith.constant 0 : i32
        %ne3A_466 = arith.cmpi ne, %rem3A_464, %ne3A_465 : i32
        %lt3A_467 = arith.constant 0 : i32
        %lt3A_468 = arith.cmpi slt, %rem3A_464, %lt3A_467 : i32
        %lt3A_469 = arith.constant 0 : i32
        %lt3A_470 = arith.cmpi slt, %select_n3A_463, %lt3A_469 : i32
        %ne3A_471 = arith.xori %lt3A_468, %lt3A_470 : i1
        %and3A_472 = arith.andi %ne3A_471, %ne3A_466 : i1
        %add3A_473 = arith.addi %rem3A_464, %select_n3A_463 : i32
        %select_n3A_474 = arith.select %and3A_472, %add3A_473, %rem3A_464 : i32
        %mul3A_475 = arith.constant 128 : i32
        %mul3A_476 = arith.muli %select_n3A_474, %mul3A_475 : i32
        %dma_start3A_477 = arith.constant 0 : i32
        %dma_start3A_478 = tpu.memref_slice %arg3[%add3A_458, %dma_start3A_477, %mul3A_476] : memref<784x81x1000xf32, #tpu.memory_space<hbm>> -> memref<1x81x128xf32, #tpu.memory_space<hbm>>
        %dma_start3A_479 = tpu.memref_squeeze %dma_start3A_478 : memref<1x81x128xf32, #tpu.memory_space<hbm>> -> memref<81x128xf32, #tpu.memory_space<hbm>>
        %dma_start3A_480 = arith.constant 0 : i32
        %dma_start3A_481 = tpu.memref_slice %arg3[%add3A_458, %dma_start3A_480, %mul3A_476] : memref<784x81x1000xf32, #tpu.memory_space<hbm>> -> memref<1x81x128xf32, #tpu.memory_space<hbm>>
        %dma_start3A_482 = tpu.memref_squeeze %dma_start3A_481 : memref<1x81x128xf32, #tpu.memory_space<hbm>> -> memref<81x128xf32, #tpu.memory_space<hbm>>
        tpu.enqueue_dma source(%dma_start3A_482 : memref<81x128xf32, #tpu.memory_space<hbm>>) target(%arg10 : memref<81x128xf32, #tpu.memory_space<vmem>>) target_semaphore(%arg19 : memref<!tpu.dma_semaphore, #tpu.memory_space<semaphore_mem>>)
        %mul3A_483 = arith.constant 128 : i32
        %mul3A_484 = arith.muli %select_n3A_474, %mul3A_483 : i32
        %dma_start3A_485 = tpu.memref_slice %arg4[%add3A_458, %mul3A_484] : memref<784x1000xf32, #tpu.memory_space<hbm>> -> memref<1x128xf32, #tpu.memory_space<hbm>>
        %dma_start3A_486 = tpu.memref_squeeze %dma_start3A_485 : memref<1x128xf32, #tpu.memory_space<hbm>> -> memref<128xf32, #tpu.memory_space<hbm>>
        %dma_start3A_487 = tpu.memref_slice %arg4[%add3A_458, %mul3A_484] : memref<784x1000xf32, #tpu.memory_space<hbm>> -> memref<1x128xf32, #tpu.memory_space<hbm>>
        %dma_start3A_488 = tpu.memref_squeeze %dma_start3A_487 : memref<1x128xf32, #tpu.memory_space<hbm>> -> memref<128xf32, #tpu.memory_space<hbm>>
        tpu.enqueue_dma source(%dma_start3A_488 : memref<128xf32, #tpu.memory_space<hbm>>) target(%arg14 : memref<128xf32, #tpu.memory_space<vmem>>) target_semaphore(%arg23 : memref<!tpu.dma_semaphore, #tpu.memory_space<semaphore_mem>>)
      } else {
      }
      scf.yield %scan3A_421 : vector<16xf32>
    }
    %scan3A_229 = arith.constant 4 : i32
    %swap3A = arith.constant 0 : index
    %swap3A_230 = tpu.vector_load %arg15[%swap3A] {strides = array<i32>} : memref<16xf32, #tpu.memory_space<vmem>>, vector<16xf32>,
    tpu.vector_store %arg15[%swap3A], %scan3A_228 {strides = array<i32>} : memref<16xf32, #tpu.memory_space<vmem>>, vector<16xf32>,
    "tpu.region"() ({
      %run_scoped3A = tpu.sem_alloc : memref<!tpu.dma_semaphore, #tpu.memory_space<semaphore_mem>>
      %dma_start3A_231 = arith.constant 0 : i32
      %dma_start3A_232 = tpu.memref_slice %arg5[%add3A, %dma_start3A_231] : memref<32x16xf32, #tpu.memory_space<hbm>> -> memref<1x16xf32, #tpu.memory_space<hbm>>
      %dma_start3A_233 = tpu.memref_squeeze %dma_start3A_232 : memref<1x16xf32, #tpu.memory_space<hbm>> -> memref<16xf32, #tpu.memory_space<hbm>>
      %dma_start3A_234 = arith.constant 0 : i32
      %dma_start3A_235 = tpu.memref_slice %arg5[%add3A, %dma_start3A_234] : memref<32x16xf32, #tpu.memory_space<hbm>> -> memref<1x16xf32, #tpu.memory_space<hbm>>
      %dma_start3A_236 = tpu.memref_squeeze %dma_start3A_235 : memref<1x16xf32, #tpu.memory_space<hbm>> -> memref<16xf32, #tpu.memory_space<hbm>>
      tpu.enqueue_dma source(%arg15 : memref<16xf32, #tpu.memory_space<vmem>>) target(%dma_start3A_236 : memref<16xf32, #tpu.memory_space<hbm>>) target_semaphore(%run_scoped3A : memref<!tpu.dma_semaphore, #tpu.memory_space<semaphore_mem>>)
      %dma_wait3A = arith.constant 0 : i32
      %dma_wait3A_237 = tpu.memref_slice %arg5[%add3A, %dma_wait3A] : memref<32x16xf32, #tpu.memory_space<hbm>> -> memref<1x16xf32, #tpu.memory_space<hbm>>
      %dma_wait3A_238 = tpu.memref_squeeze %dma_wait3A_237 : memref<1x16xf32, #tpu.memory_space<hbm>> -> memref<16xf32, #tpu.memory_space<hbm>>
      %dma_wait3A_239 = arith.constant 0 : i32
      %dma_wait3A_240 = tpu.memref_slice %arg5[%add3A, %dma_wait3A_239] : memref<32x16xf32, #tpu.memory_space<hbm>> -> memref<1x16xf32, #tpu.memory_space<hbm>>
      %dma_wait3A_241 = tpu.memref_squeeze %dma_wait3A_240 : memref<1x16xf32, #tpu.memory_space<hbm>> -> memref<16xf32, #tpu.memory_space<hbm>>
      tpu.wait_dma2 semaphore(%run_scoped3A : memref<!tpu.dma_semaphore, #tpu.memory_space<semaphore_mem>>) src(%arg15 : memref<16xf32, #tpu.memory_space<vmem>>) dst(%dma_wait3A_241 : memref<16xf32, #tpu.memory_space<hbm>>)
      tpu.yield
    }) : () -> ()
    return
  }
}

module attributes {stable_mosaic.version = 14 : i64} {
  func.func @_fin_body(%arg0: memref<1x2xf32, #tpu.memory_space<vmem>>, %arg1: memref<32x16xf32, #tpu.memory_space<vmem>>, %arg2: memref<1x1xf32, #tpu.memory_space<vmem>>) attributes {dimension_semantics = [], scalar_prefetch = 0 : i64, scratch_operands = 0 : i64, tpu.core_type = #tpu.core_type<tc>} {
    %get3A = arith.constant 0 : index
    %get3A_0 = arith.constant 0 : index
    %get3A_1 = vector.load %arg0[%get3A, %get3A_0] : memref<1x2xf32, #tpu.memory_space<vmem>>, vector<1x1xf32>
    %get3A_2 = vector.extract %get3A_1[0, 0] : f32 from vector<1x1xf32>
    %get3A_3 = arith.constant 0 : index
    %get3A_4 = arith.constant 0 : index
    %get3A_5 = vector.load %arg1[%get3A_3, %get3A_4] : memref<32x16xf32, #tpu.memory_space<vmem>>, vector<32x16xf32>
    %reduce_sum3A = vector.shape_cast %get3A_5 : vector<32x16xf32> to vector<1x32x16xf32>
    %reduce_sum3A_6 = arith.constant dense<0.000000e+00> : vector<1xf32>
    %reduce_sum3A_7 = vector.multi_reduction <add>, %reduce_sum3A, %reduce_sum3A_6 [1, 2] : vector<1x32x16xf32> to vector<1xf32>
    %reduce_sum3A_8 = vector.shape_cast %reduce_sum3A_7 : vector<1xf32> to vector<1x1x1xf32>
    %reduce_sum3A_9 = vector.extract %reduce_sum3A_8[0, 0, 0] : f32 from vector<1x1x1xf32>
    %add3A = arith.addf %get3A_2, %reduce_sum3A_9 : f32
    %get3A_10 = arith.constant 0 : index
    %get3A_11 = arith.constant 1 : index
    %get3A_12 = vector.load %arg0[%get3A_10, %get3A_11] : memref<1x2xf32, #tpu.memory_space<vmem>>, vector<1x1xf32>
    %get3A_13 = vector.extract %get3A_12[0, 0] : f32 from vector<1x1xf32>
    %max3A = arith.constant 1.000000e+00 : f32
    %max3A_14 = arith.maximumf %get3A_13, %max3A : f32
    %mul3A = arith.constant 7.840000e+02 : f32
    %mul3A_15 = arith.mulf %max3A_14, %mul3A : f32
    %div3A = arith.divf %add3A, %mul3A_15 : f32
    %reshape3A = vector.broadcast %div3A : f32 to vector<1x1xf32>
    %swap3A = arith.constant 0 : index
    %swap3A_16 = arith.constant 0 : index
    %swap3A_17 = vector.load %arg2[%swap3A, %swap3A_16] : memref<1x1xf32, #tpu.memory_space<vmem>>, vector<1x1xf32>
    tpu.vector_store %arg2[%swap3A, %swap3A_16], %reshape3A {strides = array<i32>} : memref<1x1xf32, #tpu.memory_space<vmem>>, vector<1x1xf32>,
    return
  }
}

module attributes {stable_mosaic.version = 14 : i64} {
  func.func @_tc_body(%arg0: i32, %arg1: memref<1x1000xi32, #tpu.memory_space<vmem>>, %arg2: memref<48x81x1000xf32, #tpu.memory_space<vmem>>, %arg3: memref<48x1000xf32, #tpu.memory_space<vmem>>, %arg4: memref<1x2xf32, #tpu.memory_space<vmem>>) attributes {dimension_semantics = [#tpu.dimension_semantics<arbitrary>], iteration_bounds = array<i64: 15>, scalar_prefetch = 0 : i64, scratch_operands = 0 : i64, tpu.core_type = #tpu.core_type<tc>, window_params = [{pipeline_mode = #tpu.pipeline_mode<synchronous>, transform_indices = @transform_0, window_bounds = array<i64: 1, 1000>}, {transform_indices = @transform_1, window_bounds = array<i64: 48, 81, 1000>}, {transform_indices = @transform_2, window_bounds = array<i64: 48, 1000>}, {pipeline_mode = #tpu.pipeline_mode<synchronous>, transform_indices = @transform_3, window_bounds = array<i64: 1, 2>}]} {
    %get3A = arith.constant 0 : index
    %get3A_0 = arith.constant 0 : index
    %get3A_1 = vector.load %arg1[%get3A, %get3A_0] : memref<1x1000xi32, #tpu.memory_space<vmem>>, vector<1x1000xi32>
    %get3A_2 = arith.constant 0 : index
    %get3A_3 = arith.constant 0 : index
    %get3A_4 = arith.constant 0 : index
    %get3A_5 = vector.load %arg2[%get3A_2, %get3A_3, %get3A_4] : memref<48x81x1000xf32, #tpu.memory_space<vmem>>, vector<48x81x1000xf32>
    %get3A_6 = arith.constant 0 : index
    %get3A_7 = arith.constant 0 : index
    %get3A_8 = vector.load %arg3[%get3A_6, %get3A_7] : memref<48x1000xf32, #tpu.memory_space<vmem>>, vector<48x1000xf32>
    %iota3A = tpu.iota {dimensions = array<i32: 1>} : vector<1x81x1000xi32>
    %broadcast_in_dim3A = vector.shape_cast %get3A_1 : vector<1x1000xi32> to vector<1x1x1000xi32>
    %eq3A = vector.broadcast %broadcast_in_dim3A : vector<1x1x1000xi32> to vector<1x81x1000xi32>
    %eq3A_9 = arith.cmpi eq, %eq3A, %iota3A : vector<1x81x1000xi32>
    %jit3A = arith.constant 0.000000e+00 : f32
    %broadcast_in_dim3A_10 = vector.shape_cast %eq3A_9 : vector<1x81x1000xi1> to vector<1x81x1000xi1>
    %broadcast_in_dim3A_11 = vector.broadcast %broadcast_in_dim3A_10 : vector<1x81x1000xi1> to vector<48x81x1000xi1>
    %broadcast_in_dim3A_12 = vector.broadcast %jit3A : f32 to vector<48x81x1000xf32>
    %select_n3A = arith.select %broadcast_in_dim3A_11, %get3A_5, %broadcast_in_dim3A_12 : vector<48x81x1000xi1>, vector<48x81x1000xf32>
    %reduce_sum3A = arith.constant dense<0.000000e+00> : vector<48x1000xf32>
    %reduce_sum3A_13 = vector.multi_reduction <add>, %select_n3A, %reduce_sum3A [1] : vector<48x81x1000xf32> to vector<48x1000xf32>
    %max3A = arith.constant 0.000000e+00 : f32
    %max3A_14 = vector.broadcast %max3A : f32 to vector<48x1000xf32>
    %max3A_15 = arith.maximumf %reduce_sum3A_13, %max3A_14 : vector<48x1000xf32>
    %mul3A = arith.mulf %reduce_sum3A_13, %get3A_8 : vector<48x1000xf32>
    %sub3A = arith.subf %max3A_15, %mul3A : vector<48x1000xf32>
    %abs3A = math.absf %reduce_sum3A_13 : vector<48x1000xf32>
    %neg3A = arith.constant 0.000000e+00 : f32
    %neg3A_16 = vector.broadcast %neg3A : f32 to vector<48x1000xf32>
    %neg3A_17 = arith.subf %neg3A_16, %abs3A : vector<48x1000xf32>
    %exp3A = math.exp %neg3A_17 : vector<48x1000xf32>
    %log1p3A = math.log1p %exp3A : vector<48x1000xf32>
    %add3A = arith.addf %sub3A, %log1p3A : vector<48x1000xf32>
    %gt3A = arith.constant 0 : i32
    %gt3A_18 = vector.broadcast %gt3A : i32 to vector<1x1000xi32>
    %gt3A_19 = arith.cmpi sgt, %get3A_1, %gt3A_18 : vector<1x1000xi32>
    %convert_element_type3A = arith.extui %gt3A_19 : vector<1x1000xi1> to vector<1x1000xi32>
    %convert_element_type3A_20 = arith.sitofp %convert_element_type3A : vector<1x1000xi32> to vector<1x1000xf32>
    %mul3A_21 = vector.broadcast %convert_element_type3A_20 : vector<1x1000xf32> to vector<48x1000xf32>
    %mul3A_22 = arith.mulf %add3A, %mul3A_21 : vector<48x1000xf32>
    %reduce_sum3A_23 = vector.shape_cast %mul3A_22 : vector<48x1000xf32> to vector<1x48x1000xf32>
    %reduce_sum3A_24 = arith.constant dense<0.000000e+00> : vector<1xf32>
    %reduce_sum3A_25 = vector.multi_reduction <add>, %reduce_sum3A_23, %reduce_sum3A_24 [1, 2] : vector<1x48x1000xf32> to vector<1xf32>
    %reduce_sum3A_26 = vector.shape_cast %reduce_sum3A_25 : vector<1xf32> to vector<1x1x1xf32>
    %reduce_sum3A_27 = vector.extract %reduce_sum3A_26[0, 0, 0] : f32 from vector<1x1x1xf32>
    %reshape3A = vector.broadcast %reduce_sum3A_27 : f32 to vector<1x1xf32>
    %eq3A_28 = arith.constant 0 : i32
    %eq3A_29 = arith.cmpi eq, %arg0, %eq3A_28 : i32
    %convert_element_type3A_30 = arith.extui %eq3A_29 : i1 to i32
    %cond3A = arith.constant 0 : i32
    %cond3A_31 = arith.cmpi ne, %convert_element_type3A_30, %cond3A : i32
    scf.if %cond3A_31 {
      %broadcast_in_dim3A_43 = arith.constant 0.000000e+00 : f32
      %broadcast_in_dim3A_44 = vector.broadcast %broadcast_in_dim3A_43 : f32 to vector<1x2xf32>
      %swap3A_45 = arith.constant 0 : index
      %swap3A_46 = arith.constant 0 : index
      %swap3A_47 = vector.load %arg4[%swap3A_45, %swap3A_46] : memref<1x2xf32, #tpu.memory_space<vmem>>, vector<1x2xf32>
      tpu.vector_store %arg4[%swap3A_45, %swap3A_46], %broadcast_in_dim3A_44 {strides = array<i32>} : memref<1x2xf32, #tpu.memory_space<vmem>>, vector<1x2xf32>,
    } else {
    }
    %get3A_32 = arith.constant 0 : index
    %get3A_33 = arith.constant 0 : index
    %get3A_34 = vector.load %arg4[%get3A_32, %get3A_33] : memref<1x2xf32, #tpu.memory_space<vmem>>, vector<1x1xf32>
    %add3A_35 = arith.addf %get3A_34, %reshape3A : vector<1x1xf32>
    %swap3A = arith.constant 0 : index
    %swap3A_36 = arith.constant 0 : index
    %swap3A_37 = vector.load %arg4[%swap3A, %swap3A_36] : memref<1x2xf32, #tpu.memory_space<vmem>>, vector<1x1xf32>
    tpu.vector_store %arg4[%swap3A, %swap3A_36], %add3A_35 {strides = array<i32>} : memref<1x2xf32, #tpu.memory_space<vmem>>, vector<1x1xf32>,
    %eq3A_38 = arith.constant 14 : i32
    %eq3A_39 = arith.cmpi eq, %arg0, %eq3A_38 : i32
    %convert_element_type3A_40 = arith.extui %eq3A_39 : i1 to i32
    %cond3A_41 = arith.constant 0 : i32
    %cond3A_42 = arith.cmpi ne, %convert_element_type3A_40, %cond3A_41 : i32
    scf.if %cond3A_42 {
      %reduce_sum3A_43 = vector.shape_cast %convert_element_type3A_20 : vector<1x1000xf32> to vector<1x1x1000xf32>
      %reduce_sum3A_44 = arith.constant dense<0.000000e+00> : vector<1xf32>
      %reduce_sum3A_45 = vector.multi_reduction <add>, %reduce_sum3A_43, %reduce_sum3A_44 [1, 2] : vector<1x1x1000xf32> to vector<1xf32>
      %reduce_sum3A_46 = vector.shape_cast %reduce_sum3A_45 : vector<1xf32> to vector<1x1x1xf32>
      %reduce_sum3A_47 = vector.extract %reduce_sum3A_46[0, 0, 0] : f32 from vector<1x1x1xf32>
      %reshape3A_48 = vector.broadcast %reduce_sum3A_47 : f32 to vector<1x1xf32>
      %swap3A_49 = arith.constant 0 : index
      %swap3A_50 = arith.constant 1 : index
      %swap3A_51 = vector.load %arg4[%swap3A_49, %swap3A_50] : memref<1x2xf32, #tpu.memory_space<vmem>>, vector<1x1xf32>
      tpu.vector_store %arg4[%swap3A_49, %swap3A_50], %reshape3A_48 {strides = array<i32>} : memref<1x2xf32, #tpu.memory_space<vmem>>, vector<1x1xf32>,
    } else {
    }
    return
  }
  func.func @transform_0(%arg0: i32) -> (i32, i32) {
    %c0_i32 = arith.constant 0 : i32
    %c0_i32_0 = arith.constant 0 : i32
    %c0_i32_1 = arith.constant 0 : i32
    return %c0_i32, %c0_i32_0 : i32, i32
  }
  func.func @transform_1(%arg0: i32) -> (i32, i32, i32) {
    %c0_i32 = arith.constant 0 : i32
    %c0_i32_0 = arith.constant 0 : i32
    %c0_i32_1 = arith.constant 0 : i32
    return %arg0, %c0_i32, %c0_i32_0 : i32, i32, i32
  }
  func.func @transform_2(%arg0: i32) -> (i32, i32) {
    %c0_i32 = arith.constant 0 : i32
    %c0_i32_0 = arith.constant 0 : i32
    return %arg0, %c0_i32 : i32, i32
  }
  func.func @transform_3(%arg0: i32) -> (i32, i32) {
    %c0_i32 = arith.constant 0 : i32
    %c0_i32_0 = arith.constant 0 : i32
    %c0_i32_1 = arith.constant 0 : i32
    return %c0_i32, %c0_i32_0 : i32, i32
  }
}

</mosaic_0001>

<sc_bundles>
// kernel: kernel.5.cloned.1.call-start
scs
__scs_entry_jumppad:
0x0: {  	(pc) =	sbr.rel $0x88, $3  }
0x1: {  	(tag) =	ssettag $0x0;
	lr =	simm.s32 $0x1  }
0x2: {  	[smem:$0x3F9E] =	sst lr;
	_ =	strace $0xD0000000  }
0x3: {  	_ = 	snop  }
0x4: {  	_ = 	snop  }
0x5: {  	_ = 	snop  }
0x6: {  	_ = 	snop  }
0x7: {  	_ = 	snop  }
__scs_overlays_trampoline_lowered:
0x8: {  	[smem:$0x3FAD] =	sst s0  }
0x9: {  	[smem:$0x3FAE] =	sst s1  }
0xa: {  	[smem:$0x3FAF] =	sst s2  }
0xb: {  	[smem:$0x3FB0] =	sst s3  }
0xc: {  	[smem:$0x3FB1] =	sst s4  }
0xd: {  	[smem:$0x3FB2] =	sst s5  }
0xe: {  	[smem:$0x3FB3] =	sst s6  }
0xf: {  	[smem:$0x3FB4] =	sst s7  }
0x10: {  	[smem:$0x3FB5] =	sst s8  }
0x11: {  	[smem:$0x3FB6] =	sst s9;
	s0 =	simm.s32 @!p0 $0x0  }
0x12: {  	s1 =	sld [smem:$0x3F9C];
	s0 =	simm.s32 @p0 $0x1  }
0x13: {  	[smem:$0x3FB7] =	sst s0;
	s0 =	simm.s32 @!p1 $0x0  }
0x14: {  	s2 =	sld [smem:$0x3F9B];
	s0 =	simm.s32 @p1 $0x1  }
0x15: {  	[smem:$0x3FB8] =	sst s0;
	s0 =	simm.s32 @!p2 $0x0  }
0x16: {  	s3 =	sld [smem:$0x3FDB];
	s0 =	simm.s32 @p2 $0x1  }
0x17: {  	s4 =	simm.s32 $0x1BF5;
	[smem:$0x3FBA] =	sst s0  }
0x18: {  	s0 =	sld [smem:$0x3F9D];
	_ =	swait.ge [sflag:s4], $0x0  }
0x19: {  	s7 =	sld [smem:$0x3F9E]  }
0x1a: {  	s8 =	sadd.s32 $0xFFFFE003, lr  }
0x1b: {  	s9 =	sadd.s32 $0xFFFFFEF7, lr;
	s5 =	simm.s32 $0xFFFFFFFF;
	p2 =	slt.u32 s8, $0xFFFFF086  }
0x1c: {  	p1 =	slt.u32 s9, $0xF7A;
	s5 =	simm.s32 @!p2 $0x0  }
0x1d: {  	s5 =	simm.s32 @p1 $0x1;
	p0 =	seq.s32 s7, s2  }
0x1e: {  	s7 =	smul.u32 @!p0 $0xF7A, s2;
	p2 =	seq.s32 @!p0 s5, $0x0  }
0x1f: {  	s9 =	smul.u32 $0xF7A, s1;
	s8 =	simm.s32 @!p0 $0x1BF5;
	p2 =	por !p2, p0  }
0x20: {  	[sflag:s8] =	ssyncset.s32 @!p0 $0xFFFFF086;
	s6 =	sadd.s32 @!p0 s3, s7;
	s7 =	simm.s32 @!p0 $0x108  }
0x21: {  	s3 =	sadd.s32 s3, s9;
	s6 =	sadd.s32 @!p0 $0x88, s6;
	s7 =	simm.s32 @p2 $0x1082  }
0x22: {  	[simem:s7], [sflag:s8] =	dma.local @!p0 [hbm:s6], $0xF7A  }
0x23: {  	s9 =	sor.u32 $0xD0000000, s2;
	s6 =	simm.s32 $0x108;
	_ =	swait.ge @!p0 [sflag:s8], $0x0  }
0x24: {  	s3 =	sadd.s32 $0x88, s3;
	s6 =	simm.s32 @!p1 $0x1082;
	[sflag:s4] =	ssyncset.s32 $0xFFFFF086  }
0x25: {  	[simem:s6], [sflag:s4] =	dma.local [hbm:s3], $0xF7A  }
0x26: {  	[smem:$0x3F9E] =	sst s1;
	(tag) =	ssettag s2;
	_ =	strace s9  }
0x27: {  	s1 =	sld [smem:$0x3FAE]  }
0x28: {  	s2 =	sld [smem:$0x3FAF]  }
0x29: {  	s4 =	sld [smem:$0x3FB1]  }
0x2a: {  	p0 =	seq.s32 s5, $0x0;
	s5 =	sld [smem:$0x3FB2]  }
0x2b: {  	s6 =	sld [smem:$0x3FB3]  }
0x2c: {  	s7 =	sld [smem:$0x3FB4]  }
0x2d: {  	s3 =	simm.s32 $0x108;
	s8 =	sld [smem:$0x3FB5]  }
0x2e: {  	s3 =	simm.s32 @!p0 $0x1082;
	s9 =	sld [smem:$0x3FB6]  }
0x2f: {  	lr =	sadd.s32 s0, s3;
	s0 =	sld [smem:$0x3FAD]  }
0x30: {  	s3 =	sld [smem:$0x3FB0]  }
0x31: {  	[smem:$0x3FB9] =	sst s10  }
0x32: {  	s10 =	sld [smem:$0x3FB7];
	_ =	sdelay $0x3  }
0x33: {  	p0 =	seq.s32 s10, $0x1;
	s10 =	sld [smem:$0x3FB9];
	_ =	sdelay $0x3  }
0x34: {  	[smem:$0x3FB9] =	sst s10  }
0x35: {  	s10 =	sld [smem:$0x3FB8];
	_ =	sdelay $0x3  }
0x36: {  	p1 =	seq.s32 s10, $0x1;
	s10 =	sld [smem:$0x3FB9];
	_ =	sdelay $0x3  }
0x37: {  	[smem:$0x3FB9] =	sst s10  }
0x38: {  	s10 =	sld [smem:$0x3FBA]  }
0x39: {  	_ = 	snop;
	(pc) =	sbr.ind lr, $3  }
0x3a: {  	_ = 	snop  }
0x3b: {  	_ = 	snop  }
0x3c: {  	p2 =	seq.s32 s10, $0x1;
	s10 =	sld [smem:$0x3FB9]  }
0x3d: {  	_ =	shalt  }
0x3e: {  	_ =	shalt  }
0x3f: {  	_ =	shalt  }
0x40: {  	_ =	shalt  }
0x41: {  	_ =	shalt  }
0x42: {  	_ =	shalt  }
0x43: {  	_ =	shalt  }
0x44: {  	_ =	shalt  }
0x45: {  	_ =	shalt  }
0x46: {  	_ =	shalt  }
0x47: {  	_ =	shalt  }
0x48: {  	_ =	shalt  }
0x49: {  	_ =	shalt  }
0x4a: {  	_ =	shalt  }
0x4b: {  	_ =	shalt  }
0x4c: {  	_ =	shalt  }
0x4d: {  	_ =	shalt  }
0x4e: {  	_ =	shalt  }
0x4f: {  	_ =	shalt  }
0x50: {  	_ =	shalt  }
0x51: {  	_ =	shalt  }
0x52: {  	_ =	shalt  }
0x53: {  	_ =	shalt  }
0x54: {  	_ =	shalt  }
0x55: {  	_ =	shalt  }
0x56: {  	_ =	shalt  }
0x57: {  	_ =	shalt  }
0x58: {  	_ =	shalt  }
0x59: {  	_ =	shalt  }
0x5a: {  	_ =	shalt  }
0x5b: {  	_ =	shalt  }
0x5c: {  	_ =	shalt  }
0x5d: {  	_ =	shalt  }
0x5e: {  	_ =	shalt  }
0x5f: {  	_ =	shalt  }
0x60: {  	_ =	shalt  }
0x61: {  	_ =	shalt  }
0x62: {  	_ =	shalt  }
0x63: {  	_ =	shalt  }
0x64: {  	_ =	shalt  }
0x65: {  	_ =	shalt  }
0x66: {  	_ =	shalt  }
0x67: {  	_ =	shalt  }
0x68: {  	_ =	shalt  }
0x69: {  	_ =	shalt  }
0x6a: {  	_ =	shalt  }
0x6b: {  	_ =	shalt  }
0x6c: {  	_ =	shalt  }
0x6d: {  	_ =	shalt  }
0x6e: {  	_ =	shalt  }
0x6f: {  	_ =	shalt  }
0x70: {  	_ =	shalt  }
0x71: {  	_ =	shalt  }
0x72: {  	_ =	shalt  }
0x73: {  	_ =	shalt  }
0x74: {  	_ =	shalt  }
0x75: {  	_ =	shalt  }
0x76: {  	_ =	shalt  }
0x77: {  	_ =	shalt  }
0x78: {  	_ =	shalt  }
0x79: {  	_ =	shalt  }
0x7a: {  	_ =	shalt  }
0x7b: {  	_ =	shalt  }
0x7c: {  	_ =	shalt  }
0x7d: {  	_ =	shalt  }
0x7e: {  	_ =	shalt  }
0x7f: {  	_ =	shalt  }
0x80: {  	_ =	shalt  }
0x81: {  	_ =	shalt  }
0x82: {  	_ =	shalt  }
0x83: {  	_ =	shalt  }
0x84: {  	_ =	shalt  }
0x85: {  	_ =	shalt  }
0x86: {  	_ =	shalt  }
0x87: {  	_ =	shalt  }
.Lfunc_end0:
.L_simem_size_0:
called_computation_lowered:
.L_overlay_start_0:
0x88: {  	s2 =	sld [smem:$0x3FD9]  }
0x89: {  	s3 =	sld [smem:$0x3FFE];
	_ =	sdelay $0x1  }
0x8a: {  	s1 =	srdreg.scid  }
0x8b: {  	s0 =	sand.u32 $0x1, s1  }
0x8c: {  	s17 =	sshll.u32 s0, $0xA;
	s2 =	sadd.s32 s3, s2  }
0x8d: {  	s2 =	sadd.s32 s2, s17  }
0x8e: {  	[smem:$0x3FC5] =	sst s2  }
0x8f: {  	_ = 	snop  }
0x90: {  	s2 =	sld [smem:$0x3FC7];
	(tm) =	ssettm $0x1  }
0x91: {  	s18 =	sld [smem:$0x3FFB];
	_ =	sdelay $0x3  }
0x92: {  	_ =	strace s18  }
0x93: {  	s3 =	sld [smem:$0x3FFC];
	_ =	sdelay $0x3  }
0x94: {  	_ =	strace s3  }
0x95: {  	s3 =	sld [smem:$0x3FFD];
	_ =	sdelay $0x3  }
0x96: {  	_ =	strace s3  }
0x97: {  	_ =	strace $0x8FFFFFFF  }
0x98: {  	s19 =	sld [smem:$0x3FDB];
	_ =	sdelay $0x1  }
0x99: {  	s4 =	simm.s32 $_scs_section_size  }
0x9a: {  	s5 =	simm.s32 $_size__tile_overlayer_lowered;
	s6 =	simm.s32 $_tile_overlayer_lowered  }
0x9b: {  	s22 =	simm.s32 $0x1BFF;
	s21 =	sshll.u32 s6, $0x1;
	s3 =	sadd.s32 s4, s19  }
0x9c: {  	s7 =	simm.s32 $0x0;
	s20 =	sshll.u32 s5, $0x1;
	s5 =	sadd.s32 s21, s3  }
0x9d: {  	[timem:s7], [sflag:s22] =	dma.local [hbm:s5], s20  }
0x9e: {  	_ =	swait.ge [sflag:s22], s20  }
0x9f: {  	s4 =	ssub.s32 $0x0, s20;
	[sflag:s22] =	ssyncset.done $0x0  }
0xa0: {  	[sflag:s22] =	ssyncadd.s32 s4;
	_ =	sdelay $0x1  }
0xa1: {  	s23 =	simm.s32 $0x1B8B  }
0xa2: {  	_ =	swait.ge [sflag:s23], $0x1  }
0xa3: {  	[sflag:s23] =	ssyncset.done $0x0  }
0xa4: {  	s25 =	simm.s32 $0x1B8E;
	s24 =	sld [smem:$0x3FFE];
	[sflag:s23] =	ssyncadd.s32 $0xFFFFFFFF  }
0xa5: {  	s26 =	simm.s32 $execute0_lowered;
	[smem:$0x3FD2] =	sst s25  }
0xa6: {  	s5 =	sshll.u32 s26, $0x1;
	_ =	strace $0x80000046;
	[dreg:$0x1] =	wrdreg $0xFFFFFFFF  }
0xa7: {  	s28 =	simm.s32 $_size_execute0_lowered;
	s3 =	sadd.s32 s3, s5;
	[dreg:$0x0] =	wrdreg $0x0  }
0xa8: {  	s5 =	sshll.u32 s28, $0x1;
	[dreg:$0x2] =	wrdreg s3  }
0xa9: {  	[dreg:$0x3] =	wrdreg s5  }
0xaa: {  	[dreg:$0x4] =	wrdreg $0xC0  }
0xab: {  	_ =	task [dreg:s7], $0x5FFFF  }
0xac: {  	[dreg:$0x1] =	wrdreg $0xFFFFFFFF  }
0xad: {  	[dreg:$0x0] =	wrdreg $0x60  }
0xae: {  	[dreg:$0x2] =	wrdreg s24  }
0xaf: {  	[dreg:$0x3] =	wrdreg s2  }
0xb0: {  	[dreg:$0x4] =	wrdreg $0x9  }
0xb1: {  	_ =	task.clear_ibuf [dreg:s7], $0x5FFFF;
	_ =	strace $0x90000046  }
0xb2: {  	s29 =	simm.s32 $0x9;
	_ =	strace $0x80000048  }
0xb3: {  	_ =	swait.ge [sflag:s29], $0x1  }
0xb4: {  	[sflag:s29] =	ssyncadd.s32 $0xFFFFFFFF  }
0xb5: {  	_ =	strace $0x90000048  }
0xb6: {  	_ =	sfence  }
0xb7: {  	s30 =	sld [smem:$0x0];
	_ =	sdelay $0x2  }
0xb8: {  	s31 =	sshll.u32 s1, $0xD;
	s1 =	sshrl.u32 s1, $0x2  }
0xb9: {  	s3 =	sand.u32 $0x4000, s31;
	s1 =	sadd.s32 s1, s30  }
0xba: {  	s0 =	sor.u32 s3, s0;
	s1 =	sshll.u32 s1, $0x11  }
0xbb: {  	s0 =	sor.u32 s1, s0  }
0xbc: {  	s0 =	sadd.s32 $0x8F2B, s0  }
0xbd: {  	[sflag:s0] =	ssyncadd.remote.s32 $0x1  }
0xbe: {  	_ =	sfence.sel $0xFFFF  }
0xbf: {  	[dreg:$0x0] =	wrdreg $0xFFFFFFFF;
	(pc) =	sbr.abs _section_cstart, $3  }
0xc0: {  	[dreg:$0x1] =	wrdreg $0xFFFFFFFF  }
0xc1: {  	_ =	task.clear_ibuf [dreg:s7], $0x2FFFF;
	_ =	strace $0x9FFFFFFF  }
0xc2: {  	(tm) =	ssettm $0x7FFFFFFF  }
0xc3: {  	_ =	shalt  }
tec
execute0_lowered:
.L_overlay_start_1:
0x0: {  	(tag) =	ssettag $0x1  }
0x1: {  	s0 =	rddreg [dreg:$0x0]  }
0x2: {  	s2 =	rddreg [dreg:$0x1]  }
0x3: {  	s1 =	srdreg.scid;
	s4 =	stileid.u32  }
0x4: {  	s3 =	simm.s32 $0x0;
	s18 =	simm.s32 $0x2000;
	s19 =	simm.s32 $0x400  }
0x5: {  	s28 =	simm.s32 $0x5C00;
	s31 =	simm.s32 $0x8800;
	s29 =	simm.s32 $0x3  }
0x6: {  	s30 =	simm.s32 $0x7;
	s1 =	sand.u32 $0x1, s1;
	s4 =	sshll.u32 s4, $0x1  }
0x7: {  	[smem:$0x7FF] =	sst s3;
	s5 =	sadd.s32 $0x19200, s0;
	s4 =	sor.u32 s1, s4  }
0x8: {  	_ =	strace $0x80000047;
	[dreg:$0x3] =	wrdreg s5;
	s5 =	sadd.s32 $0xA00, s0  }
0x9: {  	s1 =	ssub.s32 $0x2, s1;
	s7 =	sshll.u32 s4, $0x1;
	s6 =	sshll.u32 s4, $0x4  }
0xa: {  	s9 =	sshrl.u32 s1, $0x1;
	s7 =	sadd.s32 $0x2D0, s7;
	s0 =	sadd.s32 s6, s0  }
0xb: {  	s1 =	ssub.s32 s1, s9;
	s8 =	smul.u32 $0x2C00, s7;
	s0 =	sadd.s32 $0x19400, s0  }
0xc: {  	s4 =	sshll.u32 s4, $0x5;
	s24 =	smax.u32 s1, $0x1;
	[dreg:$0xc] =	wrdreg s0  }
0xd: {  	s7 =	sshll.u32 s7, $0x7;
	[dreg:$0xd] =	wrdreg s24;
	s17 =	sadd.s32 s2, s8  }
0xe: {  	s4 =	sor.u32 s4, s7;
	s21 =	sadd.s32 $0x100, s17;
	[dreg:$0x4] =	wrdreg s17  }
0xf: {  	s4 =	sand.u32 $0xFFFFC60, s4;
	s23 =	sadd.s32 $0x180, s17;
	[dreg:$0x8] =	wrdreg s21  }
0x10: {  	s10 =	simm.s32 $0x8;
	s4 =	sadd.s32 s5, s4;
	[dreg:$0xa] =	wrdreg s23  }
0x11: {  	s12 =	simm.s32 $0x0;
	s25 =	sadd.s32 $0x2800, s17;
	[dreg:$0x5] =	wrdreg s4  }
0x12: {  	s9 =	simm.s32 $0x9;
	s8 =	sadd.s32 $0x80, s17;
	[dreg:$0xe] =	wrdreg s25  }
0x13: {  	s1 =	simm.s32 $0xB580;
	s20 =	sadd.s32 $0x80, s4;
	[dreg:$0x6] =	wrdreg s8  }
.Ltmp0:
0x14: {  	s22 =	sadd.s32 $0x100, s4;
	[dreg:$0x7] =	wrdreg s20;
	(pc) =	sbr.rel .LBB2_1-.Ltmp0, $4  }
0x15: {  	s0 =	simm.s32 $0xB000;
	s4 =	sadd.s32 $0x180, s4;
	[dreg:$0x9] =	wrdreg s22  }
0x16: {  	s23 =	simm.s32 $0x3000;
	s26 =	sadd.s32 $0x2800, s8;
	[dreg:$0xb] =	wrdreg s4  }
0x17: {  	s21 =	simm.s32 $0x1;
	s25 =	simm.s32 $0x2;
	[dreg:$0xf] =	wrdreg s26  }
0x18: {  	v0 =	vlaneseq.u32;
	v1 =	vimm.f32 $0.0e+00;
	s22 =	simm.s32 $0x5;
	s26 =	simm.s32 $0x6;
	s4 =	simm.s32 $0x4  }
.LBB2_12:
0x19: {  	[tilespmem:$0xB600] =	vst v2;
	s7 =	rddreg [dreg:$0xc];
	s8 =	simm.s32 $0xB600;
	s9 =	simm.s32 $0x9  }
0x1a: {  	[hbm4b:s7+s3] =	stream.linear.scatter [tilespmem:s8], [sflag:$0x9], $0x80, $0x38;
	[tilespmem:$0xB680] =	vst v63  }
0x1b: {  	_ =	swait.ge [sflag:s9], $0x80  }
0x1c: {  	s12 =	sadd.s32 $0x1, s12;
	s24 =	rddreg [dreg:$0xd]  }
0x1d: {  	p0 =	sne.s32 s12, s24  }
.Ltmp1:
0x1e: {  	_ = 	snop;
	(pc) =	sbr.rel @!p0 .LBB2_13-.Ltmp1, $3  }
0x1f: {  	_ =	sdelay $0x1  }
0x20: {  	[sflag:s9] =	ssyncset.done $0x0  }
0x21: {  	[sflag:s9] =	ssyncadd.s32 $0xFFFFFF80  }
.LBB2_1:
0x22: {  	s7 =	rddreg [dreg:$0x3]  }
0x23: {  	[tilespmem:s3], [sflag:$0x9] =	stream.linear.gather [hbm4b:s7+s3], $0x400, $0x38;
	[tilespmem:$0xB680] =	vst v63  }
0x24: {  	_ =	swait.ge [sflag:s9], $0x400  }
0x25: {  	[sflag:s9] =	ssyncset.done $0x0  }
0x26: {  	s13 =	rddreg [dreg:$0x4];
	[sflag:s9] =	ssyncadd.s32 $0xFFFFFC00  }
0x27: {  	[tilespmem:s19], [sflag:$0x1] =	stream.strided.gather [hbm4b:s13+s19], $0x2800, s18, s19, $0x38;
	[tilespmem:$0xB680] =	vst v63  }
0x28: {  	s8 =	simm.s32 $0x2C00;
	s14 =	rddreg [dreg:$0xe]  }
0x29: {  	[tilespmem:s8], [sflag:$0x1] =	stream.linear.gather [hbm4b:s14+s3], $0x80, $0x38;
	[tilespmem:$0xB680] =	vst v63  }
0x2a: {  	s16 =	simm.s32 $0xB400;
	s15 =	rddreg [dreg:$0x5]  }
0x2b: {  	[tilespmem:s16], [sflag:$0x5] =	stream.linear.gather [hbm4b:s15+s3], $0x80, $0x38;
	[tilespmem:$0xB680] =	vst v63  }
0x2c: {  	s17 =	rddreg [dreg:$0x6]  }
0x2d: {  	[tilespmem:s23], [sflag:$0x2] =	stream.strided.gather [hbm4b:s17+s19], $0x2800, s18, s19, $0x38;
	[tilespmem:$0xB680] =	vst v63  }
0x2e: {  	s24 =	simm.s32 $0x5800;
	s20 =	rddreg [dreg:$0xf]  }
0x2f: {  	[tilespmem:s24], [sflag:$0x2] =	stream.linear.gather [hbm4b:s20+s3], $0x80, $0x38;
	[tilespmem:$0xB680] =	vst v63  }
0x30: {  	s9 =	simm.s32 $0xB480;
	s8 =	rddreg [dreg:$0x7]  }
0x31: {  	[tilespmem:s9], [sflag:$0x6] =	stream.linear.gather [hbm4b:s8+s3], $0x80, $0x38;
	[tilespmem:$0xB680] =	vst v63  }
0x32: {  	s11 =	rddreg [dreg:$0x8]  }
0x33: {  	[tilespmem:s28], [sflag:$0x3] =	stream.strided.gather [hbm4b:s11+s19], $0x2800, s18, s19, $0x38;
	[tilespmem:$0xB680] =	vst v63  }
0x34: {  	s13 =	sadd.s32 $0x2800, s11;
	s14 =	simm.s32 $0x8400  }
0x35: {  	[tilespmem:s14], [sflag:$0x3] =	stream.linear.gather [hbm4b:s13+s3], $0x80, $0x38;
	[tilespmem:$0xB680] =	vst v63  }
0x36: {  	s15 =	rddreg [dreg:$0x9];
	s16 =	simm.s32 $0xB500  }
0x37: {  	[tilespmem:s16], [sflag:$0x7] =	stream.linear.gather [hbm4b:s15+s3], $0x80, $0x38;
	[tilespmem:$0xB680] =	vst v63  }
0x38: {  	s17 =	rddreg [dreg:$0xa]  }
0x39: {  	[tilespmem:s31], [sflag:$0x4] =	stream.strided.gather [hbm4b:s17+s19], $0x2800, s18, s19, $0x38;
	[tilespmem:$0xB680] =	vst v63  }
0x3a: {  	s20 =	sadd.s32 $0x2800, s17  }
0x3b: {  	[tilespmem:s0], [sflag:$0x4] =	stream.linear.gather [hbm4b:s20+s3], $0x80, $0x38;
	[tilespmem:$0xB680] =	vst v63  }
0x3c: {  	p0 =	por $0x0, $0x0;
	s24 =	rddreg [dreg:$0xb];
	s14 =	simm.s32 $0x0  }
0x3d: {  	v2 =	vimm.f32 $0.0e+00;
	[tilespmem:s1], [sflag:$0x8] =	stream.linear.gather [hbm4b:s24+s3], $0x80, $0x38;
	[tilespmem:$0xB680] =	vst v63  }
.LBB2_2:
0x3e: {  	_ =	swait.ge [sflag:s21], $0x2880  }
0x3f: {  	[sflag:s21] =	ssyncset.done $0x0  }
0x40: {  	[sflag:s21] =	ssyncadd.s32 $0xFFFFD780  }
0x41: {  	s8 =	simm.s32 $0x1;
	_ =	swait.ge [sflag:s22], $0x80  }
0x42: {  	s8 =	simm.s32 @!p0 $0x0;
	[sflag:s22] =	ssyncset.done $0x0  }
0x43: {  	s15 =	sshll.u32 s8, $0x9;
	[sflag:s22] =	ssyncadd.s32 $0xFFFFFF80  }
0x44: {  	v3 =	vld [tilespmem:s15+$0x0];
	_ =	sdelay $0x4  }
0x45: {  	s20 =	simm.s32 $0x0;
	v4 =	vshll.u32 v3, $0x7  }
0x46: {  	v4 =	vadd.s32 s20, v4  }
0x47: {  	v4 =	vadd.s32 v0, v4;
	_ =	sdelay $0x2  }
0x48: {  	s24 =	sadd.s32 $0x10, s15  }
0x49: {  	v5 =	vld [tilespmem:s24+$0x0]  }
0x4a: {  	v4 =	vld.idx.msk [tilespmem:v4+s19+$0x0], $0xffff;
	_ =	sdelay $0x3  }
0x4b: {  	s9 =	simm.s32 $0x10;
	v6 =	vshll.u32 v5, $0x7  }
0x4c: {  	v6 =	vadd.s32 s9, v6;
	v7 =	vand.u32 $0x7FFFFFFF, v4  }
0x4d: {  	v6 =	vadd.s32 v0, v6;
	v7 =	vsub.f32 $0.0e+00, v7;
	_ =	sdelay $0x1  }
0x4e: {  	s8 =	sadd.s32 $0x10, s24;
	v7 =	vmul.f32 $1.442695020e+00, v7  }
0x4f: {  	v8 =	vld [tilespmem:s8+$0x0]  }
0x50: {  	(erf) = vpow2.f32 v7  }
0x51: {  	v7 =	vld.idx.msk [tilespmem:v6+s19+$0x0], $0xffff;
	_ =	sdelay $0x2  }
0x52: {  	s7 =	simm.s32 $0x20;
	v6 =	vshll.u32 v8, $0x7  }
0x53: {  	v6 =	vadd.s32 s7, v6  }
0x54: {  	v6 =	vadd.s32 v0, v6;
	v9 =	vand.u32 $0x7FFFFFFF, v7  }
0x55: {  	v9 =	vsub.f32 $0.0e+00, v9;
	_ =	sdelay $0x1  }
0x56: {  	s11 =	simm.s32 $0xB400;
	v9 =	vmul.f32 $1.442695020e+00, v9;
	v10 =	vpop (erf)  }
0x57: {  	v11 =	vld [tilespmem:s11+$0x0];
	v12 =	vadd.f32 $2.000000000e+00, v10  }
0x58: {  	s8 =	sadd.s32 $0x10, s8;
	(erf) = vpow2.f32 v9;
	v9 =	vld.idx.msk [tilespmem:v6+s19+$0x0], $0xffff  }
0x59: {  	v13 =	vld [tilespmem:s8+$0x0];
	(erf) = vrcp.f32 v12;
	_ =	sdelay $0x3  }
0x5a: {  	s13 =	simm.s32 $0xB410;
	v11 =	vmul.f32 v11, v4;
	v12 =	vand.u32 $0x7FFFFFFF, v9  }
0x5b: {  	s16 =	simm.s32 $0x30;
	vm0 =	vgt.s32 v3, $0x0;
	v3 =	vld [tilespmem:s13+$0x0];
	v6 =	vshll.u32 v13, $0x7;
	v12 =	vsub.f32 $0.0e+00, v12  }
0x5c: {  	v6 =	vadd.s32 s16, v6  }
0x5d: {  	v4 =	vmax.f32 v4, $0.0e+00;
	v14 =	vadd.s32 v0, v6  }
0x5e: {  	vm1 =	vgt.s32 v5, $0x0;
	vm2 =	vgt.s32 v8, $0x0;
	s16 =	simm.s32 $0xB420;
	v6 =	vsub.f32 v4, v11;
	v11 =	vpop (erf)  }
0x5f: {  	vm0 =	vmmov vm0;
	vm1 =	vmmov vm1;
	v4 =	vld [tilespmem:s16+$0x0];
	v5 =	vmul.f32 $1.442695020e+00, v12;
	v12 =	vpop (erf)  }
0x60: {  	s8 =	sadd.s32 $0x10, s8;
	v3 =	vmul.f32 v3, v7;
	v8 =	vadd.f32 $2.000000000e+00, v11;
	v16 =	vmul.f32 v12, v10  }
0x61: {  	v15 =	vld [tilespmem:s8+$0x0];
	vm2 =	vmmov vm2;
	v7 =	vmax.f32 v7, $0.0e+00;
	(erf) = vpow2.f32 v5  }
0x62: {  	v5 =	vsub.f32 v7, v3;
	v3 =	vld.idx.msk [tilespmem:v14+s19+$0x0], $0xffff;
	(erf) = vrcp.f32 v8;
	v7 =	vmul.f32 v16, v16  }
0x63: {  	vm3 =	vgt.s32 v13, $0x0;
	vm0 =	vmmov vm0;
	vm1 =	vmmov vm1  }
0x64: {  	vm2 =	vmmov vm2;
	v4 =	vmul.f32 v4, v9;
	v10 =	vmul.f32 $2.222222240e-01, v7  }
0x65: {  	s17 =	simm.s32 $0xB430;
	vm3 =	vmmov vm3;
	vm0 =	vmmov vm0;
	v8 =	vmax.f32 v9, $0.0e+00  }
0x66: {  	s20 =	simm.s32 $0x40;
	v9 =	vld [tilespmem:s17+$0x0];
	v4 =	vsub.f32 v8, v4;
	v8 =	vshll.u32 v15, $0x7;
	v10 =	vadd.f32 $2.857142980e-01, v10  }
0x67: {  	vm1 =	vmmov vm1;
	v8 =	vadd.s32 s20, v8;
	v12 =	vand.u32 $0x7FFFFFFF, v3  }
0x68: {  	vm2 =	vmmov vm2;
	v13 =	vadd.s32 v0, v8;
	v8 =	vsub.f32 $0.0e+00, v12  }
0x69: {  	vm6 =	vmmov vm3;
	vm0 =	vmmov vm0;
	v12 =	vmul.f32 v10, v7  }
0x6a: {  	s8 =	sadd.s32 $0x10, s8;
	vm4 =	vmmov vm0;
	vm0 =	vgt.s32 v15, $0x0;
	v8 =	vmul.f32 $1.442695020e+00, v8;
	v10 =	vpop (erf)  }
0x6b: {  	v14 =	vld [tilespmem:s8+$0x0];
	v9 =	vmul.f32 v9, v3;
	v12 =	vadd.f32 $4.000000060e-01, v12;
	v15 =	vpop (erf);
	v17 =	vadd.f32 $2.000000000e+00, v10  }
0x6c: {  	vm1 =	vmmov vm1;
	(erf) = vpow2.f32 v8;
	v8 =	vmul.f32 v15, v11  }
0x6d: {  	s9 =	simm.s32 $0xB440;
	v3 =	vmax.f32 v3, $0.0e+00;
	v11 =	vld.idx.msk [tilespmem:v13+s19+$0x0], $0xffff;
	v12 =	vmul.f32 v12, v7;
	(erf) = vrcp.f32 v17  }
0x6e: {  	vm3 =	vmmov vm2;
	v3 =	vsub.f32 v3, v9;
	v13 =	vld [tilespmem:s9+$0x0];
	v9 =	vmul.f32 v8, v8  }
0x6f: {  	vm0 =	vmmov vm0;
	vm5 =	vmmov vm4;
	v12 =	vadd.f32 $6.666666860e-01, v12  }
0x70: {  	s24 =	simm.s32 $0x50;
	vm4 =	vmmov vm1;
	v15 =	vshll.u32 v14, $0x7;
	v17 =	vmul.f32 $2.222222240e-01, v9  }
0x71: {  	vm2 =	vgt.s32 v14, $0x0;
	v15 =	vadd.s32 s24, v15;
	v7 =	vmul.f32 v12, v7  }
0x72: {  	v14 =	vadd.s32 v0, v15;
	v12 =	vand.u32 $0x7FFFFFFF, v11;
	v15 =	vadd.f32 $2.857142980e-01, v17  }
0x73: {  	v13 =	vmul.f32 v13, v11;
	v17 =	vsub.f32 $0.0e+00, v12;
	v18 =	vadd.f32 $2.000000000e+00, v7  }
0x74: {  	vm1 =	vmmov vm6;
	s16 =	sor.u32 $0x180, s15;
	s8 =	sadd.s32 $0x10, s8;
	v7 =	vmax.f32 v11, $0.0e+00;
	v12 =	vmul.f32 v15, v9  }
0x75: {  	s20 =	sor.u32 $0x100, s15;
	s24 =	sor.u32 $0x80, s15;
	s15 =	simm.s32 $0x60;
	v7 =	vsub.f32 v7, v13;
	v15 =	vmul.f32 $1.442695020e+00, v17;
	v11 =	vpop (erf);
	v13 =	vmul.f32 v18, v16  }
.LBB2_3:
0x76: {  	v17 =	vadd.f32 $2.000000000e+00, v11;
	v18 =	vpop (erf)  }
0x77: {  	v16 =	vld [tilespmem:s8+$0x0];
	p1 =	sne.s32 s15, $0x70;
	v12 =	vadd.f32 $4.000000060e-01, v12;
	v19 =	vmovc v8;
	vm6 =	vmmov vm0;
	vm0 =	vmmov vm2;
	s7 =	smov.u32 s15;
	s15 =	sadd.s32 $0x10, s15  }
0x78: {  	v20 =	vld.idx.msk [tilespmem:v14+s19+$0x0], $0xffff;
	(erf) = vpow2.f32 v15;
	v8 =	vmul.f32 v18, v10;
	v18 =	vadd.f32 v13, v6;
	v6 =	vmovc v5  }
0x79: {  	s9 =	sadd.s32 $0x10, s9;
	v13 =	vsel vm5, $0x3F800000, v1;
	v5 =	vmovc v4;
	v4 =	vmovc v3;
	(erf) = vrcp.f32 v17;
	v12 =	vmul.f32 v12, v9  }
0x7a: {  	v3 =	vmovc v7;
	v10 =	vmovc v11;
	vm5 =	vmmov vm4;
	v15 =	vld [tilespmem:s9+$0x0];
	v14 =	vmul.f32 v8, v8;
	v13 =	vmul.f32 v18, v13  }
0x7b: {  	vm4 =	vmmov vm3;
	vm3 =	vmmov vm1;
	v7 =	vadd.f32 $6.666666860e-01, v12  }
0x7c: {  	v11 =	vshll.u32 v16, $0x7;
	v12 =	vmul.f32 $2.222222240e-01, v14;
	v2 =	vadd.f32 v13, v2  }
.Ltmp2:
0x7d: {  	vm2 =	vgt.s32 v16, $0x0;
	v11 =	vadd.s32 s7, v11;
	v7 =	vmul.f32 v7, v9;
	v9 =	vmovc v14;
	(pc) =	sbr.rel @p1 .LBB2_3-.Ltmp2, $4  }
0x7e: {  	v14 =	vadd.s32 v0, v11;
	v11 =	vand.u32 $0x7FFFFFFF, v20;
	v12 =	vadd.f32 $2.857142980e-01, v12  }
0x7f: {  	v17 =	vsub.f32 $0.0e+00, v11;
	v13 =	vmul.f32 v15, v20;
	v16 =	vadd.f32 $2.000000000e+00, v7  }
0x80: {  	vm1 =	vmmov vm6;
	v7 =	vmax.f32 v20, $0.0e+00;
	v12 =	vmul.f32 v12, v9  }
0x81: {  	s8 =	sadd.s32 $0x10, s8;
	v15 =	vmul.f32 $1.442695020e+00, v17;
	v7 =	vsub.f32 v7, v13;
	v11 =	vpop (erf);
	v13 =	vmul.f32 v16, v19  }
0x82: {  	_ =	sdelay $0x3  }
0x83: {  	v14 =	vld.idx.msk [tilespmem:v14+s19+$0x0], $0xffff;
	_ =	sdelay $0x4  }
0x84: {  	v16 =	vand.u32 $0x7FFFFFFF, v14  }
0x85: {  	v16 =	vsub.f32 $0.0e+00, v16  }
0x86: {  	v17 =	vadd.f32 $2.000000000e+00, v11  }
0x87: {  	(erf) = vpow2.f32 v15;
	v15 =	vmul.f32 $1.442695020e+00, v16  }
0x88: {  	(erf) = vrcp.f32 v17  }
0x89: {  	(erf) = vpow2.f32 v15;
	_ =	sdelay $0x1  }
0x8a: {  	s15 =	sshll.u32 s14, $0x2;
	p1 =	seq.s32 s14, $0x3  }
0x8b: {  	s7 =	sadd.s32 @!p1 $0x4, s15  }
0x8c: {  	s8 =	sadd.s32 @!p1 s6, s7  }
0x8d: {  	s11 =	sshrl.u32 @!p1 s8, $0x3  }
0x8e: {  	s11 =	sadd.s32 @!p1 $0x2D0, s11;
	v15 =	vpop (erf)  }
0x8f: {  	s7 =	sshll.u32 @!p1 s7, $0xA;
	s13 =	smul.u32 @!p1 $0x16000, s11;
	v16 =	vpop (erf)  }
0x90: {  	s7 =	sand.u32 @!p1 $0x1000, s7;
	v17 =	vpop (erf)  }
0x91: {  	s13 =	sor.u32 @!p1 s7, s13;
	v18 =	vadd.f32 $2.000000000e+00, v16;
	v19 =	vpop (erf)  }
0x92: {  	s9 =	sadd.s32 $0x10, s9;
	s13 =	sshrl.u32 @!p1 s13, $0x3;
	v20 =	vadd.f32 $2.000000000e+00, v19  }
0x93: {  	v21 =	vld [tilespmem:s9+$0x0];
	s17 =	simm.s32 @!p1 $0x400;
	s9 =	sadd.s32 @!p1 s2, s13;
	s13 =	simm.s32 @!p1 $0x2000;
	(erf) = vrcp.f32 v18  }
0x94: {  	[tilespmem:s17], [sflag:$0x1] =	stream.strided.gather @!p1 [hbm4b:s9+s17], $0x2800, s13, s17, $0x38;
	(erf) = vrcp.f32 v20;
	[tilespmem:$0xB680] =	vst v63  }
0x95: {  	s9 =	sadd.s32 @!p1 $0x2800, s9;
	s13 =	simm.s32 @!p1 $0x0;
	s17 =	simm.s32 @!p1 $0x2C00  }
0x96: {  	[tilespmem:s17], [sflag:$0x1] =	stream.linear.gather @!p1 [hbm4b:s9+s13], $0x80, $0x38;
	[tilespmem:$0xB680] =	vst v63  }
0x97: {  	s8 =	sshll.u32 @!p1 s8, $0x4;
	s9 =	sshll.u32 @!p1 s11, $0xA  }
0x98: {  	s8 =	sand.u32 @!p1 $0x380, s8;
	s9 =	sand.u32 @!p1 $0xFFFFE000, s9  }
0x99: {  	s8 =	sor.u32 @!p1 s9, s8  }
0x9a: {  	s7 =	sor.u32 @!p1 s7, s8  }
0x9b: {  	v10 =	vmul.f32 v15, v10;
	s7 =	sshrl.u32 @!p1 s7, $0x3  }
0x9c: {  	s8 =	simm.s32 @!p1 $0xB400;
	s7 =	sadd.s32 @!p1 s5, s7;
	v15 =	vpop (erf)  }
0x9d: {  	v58 =	vmul.f32 v10, v10;
	[tilespmem:s8], [sflag:$0x5] =	stream.linear.gather @!p1 [hbm4b:s7+s13], $0x80, $0x38;
	v20 =	vpop (erf);
	[tilespmem:$0xB680] =	vst v63  }
0x9e: {  	_ =	swait.ge [sflag:s25], $0x2880  }
0x9f: {  	v22 =	vmul.f32 $2.222222240e-01, v58;
	[sflag:s25] =	ssyncset.done $0x0  }
0xa0: {  	v12 =	vadd.f32 $4.000000060e-01, v12;
	v11 =	vmul.f32 v17, v11;
	[sflag:s25] =	ssyncadd.s32 $0xFFFFD780  }
0xa1: {  	v22 =	vadd.f32 $2.857142980e-01, v22;
	_ =	swait.ge [sflag:s26], $0x80  }
0xa2: {  	v6 =	vadd.f32 v13, v6;
	v12 =	vmul.f32 v12, v9;
	v13 =	vmul.f32 v11, v11;
	[sflag:s26] =	ssyncset.done $0x0  }
0xa3: {  	v23 =	vsel vm5, $0x3F800000, v1;
	v17 =	vmul.f32 v22, v58;
	[sflag:s26] =	ssyncadd.s32 $0xFFFFFF80  }
0xa4: {  	v6 =	vmul.f32 v6, v23;
	v12 =	vadd.f32 $6.666666860e-01, v12;
	v60 =	vmul.f32 $2.222222240e-01, v13;
	v59 =	vld [tilespmem:s24+$0x0]  }
0xa5: {  	v17 =	vadd.f32 $4.000000060e-01, v17  }
0xa6: {  	v2 =	vadd.f32 v6, v2;
	v6 =	vmul.f32 v12, v9;
	v9 =	vadd.f32 $2.857142980e-01, v60  }
0xa7: {  	v17 =	vmul.f32 v17, v58  }
0xa8: {  	vm4 =	vmmov vm4;
	v6 =	vadd.f32 $2.000000000e+00, v6;
	v9 =	vmul.f32 v9, v13  }
0xa9: {  	v12 =	vmul.f32 v21, v14;
	s17 =	simm.s32 $0x0;
	v17 =	vadd.f32 $6.666666860e-01, v17;
	v61 =	vshll.u32 v59, $0x7  }
0xaa: {  	v6 =	vmul.f32 v6, v8;
	v8 =	vadd.f32 $4.000000060e-01, v9;
	v21 =	vadd.s32 s17, v61  }
0xab: {  	v14 =	vmax.f32 v14, $0.0e+00;
	v17 =	vmul.f32 v17, v58;
	v62 =	vadd.s32 v0, v21  }
0xac: {  	v12 =	vsub.f32 v14, v12;
	v5 =	vadd.f32 v6, v5;
	v6 =	vmul.f32 v8, v13  }
0xad: {  	v9 =	vmul.f32 v15, v16;
	v8 =	vsel vm4, $0x3F800000, v1;
	v14 =	vadd.f32 $2.000000000e+00, v17  }
0xae: {  	v5 =	vmul.f32 v5, v8;
	v6 =	vadd.f32 $6.666666860e-01, v6;
	v8 =	vmul.f32 v20, v19  }
0xaf: {  	v10 =	vmul.f32 v14, v10;
	v14 =	vmul.f32 v9, v9  }
0xb0: {  	vm3 =	vmmov vm3;
	v6 =	vmul.f32 v6, v13;
	s24 =	sadd.s32 $0x10, s24;
	v16 =	vld.idx.msk [tilespmem:v62+s23+$0x0], $0xffff  }
0xb1: {  	v13 =	vmul.f32 v8, v8;
	v4 =	vadd.f32 v10, v4;
	v10 =	vmul.f32 $2.222222240e-01, v14;
	v15 =	vld [tilespmem:s24+$0x0]  }
0xb2: {  	vm3 =	vmmov vm3;
	v2 =	vadd.f32 v5, v2  }
0xb3: {  	v17 =	vsel vm3, $0x3F800000, v1;
	v5 =	vadd.f32 $2.857142980e-01, v10;
	v10 =	vmul.f32 $2.222222240e-01, v13  }
0xb4: {  	v6 =	vadd.f32 $2.000000000e+00, v6;
	v4 =	vmul.f32 v4, v17  }
0xb5: {  	v5 =	vmul.f32 v5, v14;
	v10 =	vadd.f32 $2.857142980e-01, v10;
	v18 =	vand.u32 $0x7FFFFFFF, v16  }
0xb6: {  	s9 =	simm.s32 $0x10;
	v2 =	vadd.f32 v4, v2;
	v17 =	vshll.u32 v15, $0x7;
	v18 =	vsub.f32 $0.0e+00, v18  }
0xb7: {  	v4 =	vmul.f32 v6, v11;
	v5 =	vadd.f32 $4.000000060e-01, v5;
	v17 =	vadd.s32 s9, v17  }
0xb8: {  	v6 =	vmul.f32 v10, v13;
	v17 =	vadd.s32 v0, v17;
	v10 =	vmul.f32 $1.442695020e+00, v18  }
0xb9: {  	s7 =	sadd.s32 $0x10, s24;
	v5 =	vmul.f32 v5, v14  }
0xba: {  	v6 =	vadd.f32 $4.000000060e-01, v6;
	(erf) = vpow2.f32 v10;
	v10 =	vld [tilespmem:s7+$0x0]  }
0xbb: {  	v5 =	vadd.f32 $6.666666860e-01, v5  }
0xbc: {  	v6 =	vmul.f32 v6, v13  }
0xbd: {  	vm0 =	vmmov vm0;
	vm2 =	vmmov vm2;
	v5 =	vmul.f32 v5, v14;
	v11 =	vld.idx.msk [tilespmem:v17+s23+$0x0], $0xffff  }
0xbe: {  	vm1 =	vmmov vm1;
	v3 =	vadd.f32 v4, v3;
	v4 =	vadd.f32 $6.666666860e-01, v6  }
0xbf: {  	vm0 =	vmmov vm0;
	s11 =	simm.s32 $0x20;
	v5 =	vadd.f32 $2.000000000e+00, v5;
	v14 =	vshll.u32 v10, $0x7  }
0xc0: {  	vm2 =	vmmov vm2;
	v4 =	vmul.f32 v4, v13;
	v13 =	vadd.s32 s11, v14  }
0xc1: {  	vm1 =	vmmov vm1;
	v5 =	vmul.f32 v5, v9;
	v9 =	vadd.s32 v0, v13  }
0xc2: {  	vm0 =	vmmov vm0;
	vm1 =	vmmov vm1;
	v14 =	vand.u32 $0x7FFFFFFF, v11  }
0xc3: {  	vm2 =	vmmov vm2;
	v6 =	vsel vm1, $0x3F800000, v1;
	v13 =	vsub.f32 $0.0e+00, v14  }
0xc4: {  	vm0 =	vmmov vm0;
	vm2 =	vmmov vm2;
	v3 =	vmul.f32 v3, v6  }
0xc5: {  	v4 =	vadd.f32 $2.000000000e+00, v4;
	v5 =	vadd.f32 v5, v7;
	v6 =	vmul.f32 $1.442695020e+00, v13;
	v7 =	vpop (erf)  }
0xc6: {  	vm0 =	vmmov vm0;
	vm1 =	vmmov vm2;
	v14 =	vadd.f32 $2.000000000e+00, v7;
	v9 =	vld.idx.msk [tilespmem:v9+s23+$0x0], $0xffff  }
0xc7: {  	v4 =	vmul.f32 v4, v8;
	s7 =	sadd.s32 $0x10, s7;
	v13 =	vsel vm0, $0x3F800000, v1;
	(erf) = vpow2.f32 v6  }
0xc8: {  	s13 =	simm.s32 $0xB480;
	v2 =	vadd.f32 v3, v2;
	v3 =	vmul.f32 v5, v13;
	v13 =	vld [tilespmem:s7+$0x0];
	(erf) = vrcp.f32 v14  }
0xc9: {  	v8 =	vld [tilespmem:s13+$0x0];
	v4 =	vadd.f32 v4, v12;
	vm0 =	vmmov vm1  }
0xca: {  	v5 =	vsel vm0, $0x3F800000, v1  }
0xcb: {  	v2 =	vadd.f32 v3, v2;
	v3 =	vmul.f32 v4, v5;
	v6 =	vand.u32 $0x7FFFFFFF, v9  }
0xcc: {  	s17 =	simm.s32 $0xB490;
	v12 =	vsub.f32 $0.0e+00, v6  }
0xcd: {  	s24 =	simm.s32 $0x30;
	v3 =	vadd.f32 v3, v2;
	v2 =	vld [tilespmem:s17+$0x0];
	v4 =	vshll.u32 v13, $0x7  }
0xce: {  	v5 =	vmul.f32 v8, v16;
	v4 =	vadd.s32 s24, v4  }
0xcf: {  	s11 =	simm.s32 $0xB4A0;
	v8 =	vmax.f32 v16, $0.0e+00;
	v4 =	vadd.s32 v0, v4  }
0xd0: {  	vm2 =	vgt.s32 v10, $0x0;
	v6 =	vsub.f32 v8, v5;
	v8 =	vld [tilespmem:s11+$0x0];
	v5 =	vmul.f32 $1.442695020e+00, v12;
	v12 =	vpop (erf)  }
0xd1: {  	vm2 =	vmmov vm2;
	vm1 =	vgt.s32 v15, $0x0;
	s7 =	sadd.s32 $0x10, s7;
	v14 =	vpop (erf)  }
0xd2: {  	v15 =	vld [tilespmem:s7+$0x0];
	v2 =	vmul.f32 v2, v11;
	v10 =	vadd.f32 $2.000000000e+00, v12;
	v16 =	vmul.f32 v14, v7  }
0xd3: {  	vm2 =	vmmov vm2;
	v11 =	vmax.f32 v11, $0.0e+00;
	(erf) = vpow2.f32 v5  }
0xd4: {  	v5 =	vsub.f32 v11, v2;
	v2 =	vld.idx.msk [tilespmem:v4+s23+$0x0], $0xffff;
	(erf) = vrcp.f32 v10;
	v7 =	vmul.f32 v16, v16  }
0xd5: {  	vm2 =	vmmov vm2;
	v4 =	vmul.f32 v8, v9  }
0xd6: {  	vm0 =	vgt.s32 v59, $0x0;
	v8 =	vmax.f32 v9, $0.0e+00;
	v10 =	vmul.f32 $2.222222240e-01, v7  }
0xd7: {  	vm1 =	vmmov vm1;
	s17 =	simm.s32 $0x40;
	v4 =	vsub.f32 v8, v4;
	v8 =	vshll.u32 v15, $0x7  }
0xd8: {  	vm0 =	vmmov vm0;
	v8 =	vadd.s32 s17, v8;
	v10 =	vadd.f32 $2.857142980e-01, v10  }
0xd9: {  	s13 =	simm.s32 $0xB4B0;
	vm3 =	vgt.s32 v13, $0x0;
	v11 =	vand.u32 $0x7FFFFFFF, v2;
	v13 =	vadd.s32 v0, v8  }
0xda: {  	vm1 =	vmmov vm1;
	vm0 =	vmmov vm0;
	v9 =	vld [tilespmem:s13+$0x0];
	v8 =	vsub.f32 $0.0e+00, v11  }
0xdb: {  	vm1 =	vmmov vm1;
	vm0 =	vmmov vm0;
	v11 =	vmul.f32 v10, v7  }
0xdc: {  	s7 =	sadd.s32 $0x10, s7;
	vm1 =	vmmov vm1;
	vm0 =	vmmov vm0;
	v8 =	vmul.f32 $1.442695020e+00, v8;
	v10 =	vpop (erf)  }
0xdd: {  	vm4 =	vmmov vm0;
	vm0 =	vgt.s32 v15, $0x0;
	v14 =	vld [tilespmem:s7+$0x0];
	v11 =	vadd.f32 $4.000000060e-01, v11;
	v15 =	vpop (erf)  }
0xde: {  	v17 =	vadd.f32 $2.000000000e+00, v10;
	(erf) = vpow2.f32 v8;
	v8 =	vmul.f32 v15, v12;
	v12 =	vld.idx.msk [tilespmem:v13+s23+$0x0], $0xffff  }
0xdf: {  	vm3 =	vmmov vm3;
	v9 =	vmul.f32 v9, v2;
	v11 =	vmul.f32 v11, v7  }
0xe0: {  	s9 =	simm.s32 $0xB4C0;
	vm5 =	vmmov vm4;
	v2 =	vmax.f32 v2, $0.0e+00;
	(erf) = vrcp.f32 v17  }
0xe1: {  	v2 =	vsub.f32 v2, v9;
	v13 =	vld [tilespmem:s9+$0x0];
	v9 =	vmul.f32 v8, v8;
	v11 =	vadd.f32 $6.666666860e-01, v11  }
0xe2: {  	vm4 =	vmmov vm1;
	vm6 =	vmmov vm3;
	v15 =	vshll.u32 v14, $0x7  }
0xe3: {  	s24 =	simm.s32 $0x50;
	v17 =	vmul.f32 $2.222222240e-01, v9;
	v7 =	vmul.f32 v11, v7;
	v11 =	vand.u32 $0x7FFFFFFF, v12  }
0xe4: {  	vm3 =	vmmov vm2;
	v15 =	vadd.s32 s24, v15;
	v11 =	vsub.f32 $0.0e+00, v11  }
0xe5: {  	vm2 =	vgt.s32 v14, $0x0;
	v14 =	vadd.s32 v0, v15;
	v15 =	vadd.f32 $2.857142980e-01, v17  }
0xe6: {  	vm0 =	vmmov vm0;
	v17 =	vmul.f32 v13, v12;
	v63 =	vadd.f32 $2.000000000e+00, v7  }
0xe7: {  	vm1 =	vmmov vm6;
	v7 =	vmax.f32 v12, $0.0e+00;
	v13 =	vmul.f32 v15, v9  }
0xe8: {  	s8 =	sadd.s32 $0x10, s7;
	s24 =	simm.s32 $0x60;
	v15 =	vmul.f32 $1.442695020e+00, v11;
	v7 =	vsub.f32 v7, v17;
	v12 =	vmul.f32 v63, v16;
	v11 =	vpop (erf)  }
.LBB2_5:
0xe9: {  	v17 =	vadd.f32 $2.000000000e+00, v11;
	v18 =	vpop (erf)  }
0xea: {  	v16 =	vld [tilespmem:s8+$0x0];
	p2 =	sne.s32 s24, $0x70;
	v13 =	vadd.f32 $4.000000060e-01, v13;
	v19 =	vmovc v8;
	vm6 =	vmmov vm0;
	vm0 =	vmmov vm2;
	s7 =	smov.u32 s24;
	s24 =	sadd.s32 $0x10, s24  }
0xeb: {  	v20 =	vld.idx.msk [tilespmem:v14+s23+$0x0], $0xffff;
	(erf) = vpow2.f32 v15;
	v8 =	vmul.f32 v18, v10;
	v18 =	vadd.f32 v12, v6;
	v6 =	vmovc v5  }
0xec: {  	s9 =	sadd.s32 $0x10, s9;
	v5 =	vmovc v4;
	v4 =	vmovc v2;
	(erf) = vrcp.f32 v17;
	v12 =	vmul.f32 v13, v9;
	v13 =	vsel vm5, $0x3F800000, v1  }
0xed: {  	v2 =	vmovc v7;
	v10 =	vmovc v11;
	vm5 =	vmmov vm4;
	v15 =	vld [tilespmem:s9+$0x0];
	v14 =	vmul.f32 v8, v8;
	v13 =	vmul.f32 v18, v13  }
0xee: {  	vm4 =	vmmov vm3;
	vm3 =	vmmov vm1;
	v7 =	vadd.f32 $6.666666860e-01, v12  }
0xef: {  	v11 =	vshll.u32 v16, $0x7;
	v12 =	vmul.f32 $2.222222240e-01, v14;
	v3 =	vadd.f32 v13, v3  }
.Ltmp3:
0xf0: {  	vm2 =	vgt.s32 v16, $0x0;
	v11 =	vadd.s32 s7, v11;
	v7 =	vmul.f32 v7, v9;
	v9 =	vmovc v14;
	(pc) =	sbr.rel @p2 .LBB2_5-.Ltmp3, $4  }
0xf1: {  	v14 =	vadd.s32 v0, v11;
	v11 =	vand.u32 $0x7FFFFFFF, v20;
	v12 =	vadd.f32 $2.857142980e-01, v12  }
0xf2: {  	v18 =	vsub.f32 $0.0e+00, v11;
	v16 =	vmul.f32 v15, v20;
	v17 =	vadd.f32 $2.000000000e+00, v7  }
0xf3: {  	vm1 =	vmmov vm6;
	v7 =	vmax.f32 v20, $0.0e+00;
	v13 =	vmul.f32 v12, v9  }
0xf4: {  	s8 =	sadd.s32 $0x10, s8;
	v15 =	vmul.f32 $1.442695020e+00, v18;
	v7 =	vsub.f32 v7, v16;
	v11 =	vpop (erf);
	v12 =	vmul.f32 v17, v19  }
0xf5: {  	_ =	sdelay $0x3  }
0xf6: {  	v14 =	vld.idx.msk [tilespmem:v14+s23+$0x0], $0xffff;
	_ =	sdelay $0x4  }
0xf7: {  	v16 =	vand.u32 $0x7FFFFFFF, v14  }
0xf8: {  	v16 =	vsub.f32 $0.0e+00, v16  }
0xf9: {  	v17 =	vadd.f32 $2.000000000e+00, v11  }
0xfa: {  	(erf) = vpow2.f32 v15;
	v15 =	vmul.f32 $1.442695020e+00, v16  }
0xfb: {  	(erf) = vrcp.f32 v17  }
0xfc: {  	(erf) = vpow2.f32 v15;
	_ =	sdelay $0x2  }
0xfd: {  	s7 =	sadd.s32 @!p1 $0x5, s15  }
0xfe: {  	s8 =	sadd.s32 @!p1 s6, s7  }
0xff: {  	s11 =	sshrl.u32 @!p1 s8, $0x3  }
0x100: {  	s11 =	sadd.s32 @!p1 $0x2D0, s11;
	v15 =	vpop (erf)  }
0x101: {  	s7 =	sshll.u32 @!p1 s7, $0xA;
	s13 =	smul.u32 @!p1 $0x16000, s11;
	v16 =	vpop (erf)  }
0x102: {  	s7 =	sand.u32 @!p1 $0x1400, s7;
	v17 =	vpop (erf)  }
0x103: {  	s13 =	sor.u32 @!p1 s7, s13;
	v18 =	vadd.f32 $2.000000000e+00, v16;
	v19 =	vpop (erf)  }
0x104: {  	s9 =	sadd.s32 $0x10, s9;
	s17 =	simm.s32 @!p1 $0x2000;
	s13 =	sshrl.u32 @!p1 s13, $0x3;
	v20 =	vadd.f32 $2.000000000e+00, v19  }
0x105: {  	s24 =	simm.s32 @!p1 $0x3000;
	v21 =	vld [tilespmem:s9+$0x0];
	s9 =	simm.s32 @!p1 $0x400;
	s13 =	sadd.s32 @!p1 s2, s13;
	(erf) = vrcp.f32 v18  }
0x106: {  	[tilespmem:s24], [sflag:$0x2] =	stream.strided.gather @!p1 [hbm4b:s13+s9], $0x2800, s17, s9, $0x38;
	(erf) = vrcp.f32 v20;
	[tilespmem:$0xB680] =	vst v63  }
0x107: {  	s9 =	sadd.s32 @!p1 $0x2800, s13;
	s13 =	simm.s32 @!p1 $0x0;
	s17 =	simm.s32 @!p1 $0x5800  }
0x108: {  	[tilespmem:s17], [sflag:$0x2] =	stream.linear.gather @!p1 [hbm4b:s9+s13], $0x80, $0x38;
	[tilespmem:$0xB680] =	vst v63  }
0x109: {  	s8 =	sshll.u32 @!p1 s8, $0x4;
	s9 =	sshll.u32 @!p1 s11, $0xA  }
0x10a: {  	s8 =	sand.u32 @!p1 $0x380, s8;
	s9 =	sand.u32 @!p1 $0xFFFFE000, s9  }
0x10b: {  	s8 =	sor.u32 @!p1 s9, s8  }
0x10c: {  	s7 =	sor.u32 @!p1 s7, s8  }
0x10d: {  	v10 =	vmul.f32 v15, v10;
	s7 =	sshrl.u32 @!p1 s7, $0x3  }
0x10e: {  	s8 =	simm.s32 @!p1 $0xB480;
	s7 =	sadd.s32 @!p1 s5, s7;
	v15 =	vpop (erf)  }
0x10f: {  	v58 =	vmul.f32 v10, v10;
	[tilespmem:s8], [sflag:$0x6] =	stream.linear.gather @!p1 [hbm4b:s7+s13], $0x80, $0x38;
	v20 =	vpop (erf);
	[tilespmem:$0xB680] =	vst v63  }
0x110: {  	_ =	swait.ge [sflag:s29], $0x2880  }
0x111: {  	v22 =	vmul.f32 $2.222222240e-01, v58;
	[sflag:s29] =	ssyncset.done $0x0  }
0x112: {  	v13 =	vadd.f32 $4.000000060e-01, v13;
	v11 =	vmul.f32 v17, v11;
	[sflag:s29] =	ssyncadd.s32 $0xFFFFD780  }
0x113: {  	v22 =	vadd.f32 $2.857142980e-01, v22;
	_ =	swait.ge [sflag:s30], $0x80  }
0x114: {  	v6 =	vadd.f32 v12, v6;
	v12 =	vmul.f32 v13, v9;
	v13 =	vmul.f32 v11, v11;
	[sflag:s30] =	ssyncset.done $0x0  }
0x115: {  	v23 =	vsel vm5, $0x3F800000, v1;
	v17 =	vmul.f32 v22, v58;
	[sflag:s30] =	ssyncadd.s32 $0xFFFFFF80  }
0x116: {  	v6 =	vmul.f32 v6, v23;
	v12 =	vadd.f32 $6.666666860e-01, v12;
	v60 =	vmul.f32 $2.222222240e-01, v13;
	v59 =	vld [tilespmem:s20+$0x0]  }
0x117: {  	v17 =	vadd.f32 $4.000000060e-01, v17  }
0x118: {  	v3 =	vadd.f32 v6, v3;
	v6 =	vmul.f32 v12, v9;
	v9 =	vadd.f32 $2.857142980e-01, v60  }
0x119: {  	v17 =	vmul.f32 v17, v58  }
0x11a: {  	vm4 =	vmmov vm4;
	v6 =	vadd.f32 $2.000000000e+00, v6;
	v9 =	vmul.f32 v9, v13  }
0x11b: {  	v12 =	vmul.f32 v21, v14;
	s11 =	simm.s32 $0x0;
	v17 =	vadd.f32 $6.666666860e-01, v17;
	v61 =	vshll.u32 v59, $0x7  }
0x11c: {  	v6 =	vmul.f32 v6, v8;
	v8 =	vadd.f32 $4.000000060e-01, v9;
	v21 =	vadd.s32 s11, v61  }
0x11d: {  	v14 =	vmax.f32 v14, $0.0e+00;
	v17 =	vmul.f32 v17, v58;
	v62 =	vadd.s32 v0, v21  }
0x11e: {  	v12 =	vsub.f32 v14, v12;
	v5 =	vadd.f32 v6, v5;
	v6 =	vmul.f32 v8, v13  }
0x11f: {  	v9 =	vmul.f32 v15, v16;
	v8 =	vsel vm4, $0x3F800000, v1;
	v14 =	vadd.f32 $2.000000000e+00, v17  }
0x120: {  	v5 =	vmul.f32 v5, v8;
	v6 =	vadd.f32 $6.666666860e-01, v6;
	v8 =	vmul.f32 v20, v19  }
0x121: {  	v10 =	vmul.f32 v14, v10;
	v14 =	vmul.f32 v9, v9  }
0x122: {  	vm3 =	vmmov vm3;
	s13 =	sadd.s32 $0x10, s20;
	v6 =	vmul.f32 v6, v13;
	v16 =	vld.idx.msk [tilespmem:v62+s28+$0x0], $0xffff  }
0x123: {  	v13 =	vmul.f32 v8, v8;
	v4 =	vadd.f32 v10, v4;
	v10 =	vmul.f32 $2.222222240e-01, v14;
	v15 =	vld [tilespmem:s13+$0x0]  }
0x124: {  	vm3 =	vmmov vm3;
	v3 =	vadd.f32 v5, v3  }
0x125: {  	v17 =	vsel vm3, $0x3F800000, v1;
	v5 =	vadd.f32 $2.857142980e-01, v10;
	v10 =	vmul.f32 $2.222222240e-01, v13  }
0x126: {  	v6 =	vadd.f32 $2.000000000e+00, v6;
	v4 =	vmul.f32 v4, v17  }
0x127: {  	v5 =	vmul.f32 v5, v14;
	v10 =	vadd.f32 $2.857142980e-01, v10;
	v18 =	vand.u32 $0x7FFFFFFF, v16  }
0x128: {  	s17 =	simm.s32 $0x10;
	v3 =	vadd.f32 v4, v3;
	v17 =	vshll.u32 v15, $0x7;
	v18 =	vsub.f32 $0.0e+00, v18  }
0x129: {  	v4 =	vmul.f32 v6, v11;
	v5 =	vadd.f32 $4.000000060e-01, v5;
	v17 =	vadd.s32 s17, v17  }
0x12a: {  	v6 =	vmul.f32 v10, v13;
	v17 =	vadd.s32 v0, v17;
	v10 =	vmul.f32 $1.442695020e+00, v18  }
0x12b: {  	s7 =	sadd.s32 $0x10, s13;
	v5 =	vmul.f32 v5, v14  }
0x12c: {  	v6 =	vadd.f32 $4.000000060e-01, v6;
	(erf) = vpow2.f32 v10;
	v10 =	vld [tilespmem:s7+$0x0]  }
0x12d: {  	v5 =	vadd.f32 $6.666666860e-01, v5  }
0x12e: {  	v6 =	vmul.f32 v6, v13  }
0x12f: {  	vm0 =	vmmov vm0;
	vm2 =	vmmov vm2;
	v5 =	vmul.f32 v5, v14;
	v11 =	vld.idx.msk [tilespmem:v17+s28+$0x0], $0xffff  }
0x130: {  	vm1 =	vmmov vm1;
	v2 =	vadd.f32 v4, v2;
	v4 =	vadd.f32 $6.666666860e-01, v6  }
0x131: {  	vm0 =	vmmov vm0;
	s20 =	simm.s32 $0x20;
	v5 =	vadd.f32 $2.000000000e+00, v5;
	v14 =	vshll.u32 v10, $0x7  }
0x132: {  	vm2 =	vmmov vm2;
	v4 =	vmul.f32 v4, v13;
	v13 =	vadd.s32 s20, v14  }
0x133: {  	vm1 =	vmmov vm1;
	v5 =	vmul.f32 v5, v9;
	v9 =	vadd.s32 v0, v13  }
0x134: {  	vm0 =	vmmov vm0;
	vm1 =	vmmov vm1;
	v14 =	vand.u32 $0x7FFFFFFF, v11  }
0x135: {  	vm2 =	vmmov vm2;
	v6 =	vsel vm1, $0x3F800000, v1;
	v13 =	vsub.f32 $0.0e+00, v14  }
0x136: {  	vm0 =	vmmov vm0;
	vm2 =	vmmov vm2;
	v2 =	vmul.f32 v2, v6  }
0x137: {  	v4 =	vadd.f32 $2.000000000e+00, v4;
	v5 =	vadd.f32 v5, v7;
	v6 =	vmul.f32 $1.442695020e+00, v13;
	v7 =	vpop (erf)  }
0x138: {  	vm0 =	vmmov vm0;
	vm1 =	vmmov vm2;
	v14 =	vadd.f32 $2.000000000e+00, v7;
	v9 =	vld.idx.msk [tilespmem:v9+s28+$0x0], $0xffff  }
0x139: {  	v4 =	vmul.f32 v4, v8;
	s7 =	sadd.s32 $0x10, s7;
	v13 =	vsel vm0, $0x3F800000, v1;
	(erf) = vpow2.f32 v6  }
0x13a: {  	s24 =	simm.s32 $0xB500;
	v2 =	vadd.f32 v2, v3;
	v3 =	vmul.f32 v5, v13;
	v13 =	vld [tilespmem:s7+$0x0];
	(erf) = vrcp.f32 v14  }
0x13b: {  	v8 =	vld [tilespmem:s24+$0x0];
	v4 =	vadd.f32 v4, v12;
	vm0 =	vmmov vm1  }
0x13c: {  	v5 =	vsel vm0, $0x3F800000, v1  }
0x13d: {  	v2 =	vadd.f32 v3, v2;
	v3 =	vmul.f32 v4, v5;
	v6 =	vand.u32 $0x7FFFFFFF, v9  }
0x13e: {  	s9 =	simm.s32 $0xB510;
	v12 =	vsub.f32 $0.0e+00, v6  }
0x13f: {  	s11 =	simm.s32 $0x30;
	v3 =	vadd.f32 v3, v2;
	v2 =	vld [tilespmem:s9+$0x0];
	v4 =	vshll.u32 v13, $0x7  }
0x140: {  	v5 =	vmul.f32 v8, v16;
	v4 =	vadd.s32 s11, v4  }
0x141: {  	s13 =	simm.s32 $0xB520;
	v8 =	vmax.f32 v16, $0.0e+00;
	v4 =	vadd.s32 v0, v4  }
0x142: {  	vm2 =	vgt.s32 v10, $0x0;
	v6 =	vsub.f32 v8, v5;
	v8 =	vld [tilespmem:s13+$0x0];
	v5 =	vmul.f32 $1.442695020e+00, v12;
	v12 =	vpop (erf)  }
0x143: {  	vm2 =	vmmov vm2;
	vm1 =	vgt.s32 v15, $0x0;
	s7 =	sadd.s32 $0x10, s7;
	v14 =	vpop (erf)  }
0x144: {  	v15 =	vld [tilespmem:s7+$0x0];
	v2 =	vmul.f32 v2, v11;
	v10 =	vadd.f32 $2.000000000e+00, v12;
	v16 =	vmul.f32 v14, v7  }
0x145: {  	vm2 =	vmmov vm2;
	v11 =	vmax.f32 v11, $0.0e+00;
	(erf) = vpow2.f32 v5  }
0x146: {  	v5 =	vsub.f32 v11, v2;
	v2 =	vld.idx.msk [tilespmem:v4+s28+$0x0], $0xffff;
	(erf) = vrcp.f32 v10;
	v7 =	vmul.f32 v16, v16  }
0x147: {  	vm2 =	vmmov vm2;
	v4 =	vmul.f32 v8, v9  }
0x148: {  	vm0 =	vgt.s32 v59, $0x0;
	v8 =	vmax.f32 v9, $0.0e+00;
	v10 =	vmul.f32 $2.222222240e-01, v7  }
0x149: {  	s20 =	simm.s32 $0x40;
	vm1 =	vmmov vm1;
	v4 =	vsub.f32 v8, v4;
	v8 =	vshll.u32 v15, $0x7  }
0x14a: {  	vm0 =	vmmov vm0;
	v8 =	vadd.s32 s20, v8;
	v10 =	vadd.f32 $2.857142980e-01, v10  }
0x14b: {  	s17 =	simm.s32 $0xB530;
	vm3 =	vgt.s32 v13, $0x0;
	v11 =	vand.u32 $0x7FFFFFFF, v2;
	v13 =	vadd.s32 v0, v8  }
0x14c: {  	vm1 =	vmmov vm1;
	vm0 =	vmmov vm0;
	v9 =	vld [tilespmem:s17+$0x0];
	v8 =	vsub.f32 $0.0e+00, v11  }
0x14d: {  	vm1 =	vmmov vm1;
	vm0 =	vmmov vm0;
	v11 =	vmul.f32 v10, v7  }
0x14e: {  	s7 =	sadd.s32 $0x10, s7;
	vm1 =	vmmov vm1;
	vm0 =	vmmov vm0;
	v8 =	vmul.f32 $1.442695020e+00, v8;
	v10 =	vpop (erf)  }
0x14f: {  	vm4 =	vmmov vm0;
	vm0 =	vgt.s32 v15, $0x0;
	v14 =	vld [tilespmem:s7+$0x0];
	v11 =	vadd.f32 $4.000000060e-01, v11;
	v15 =	vpop (erf)  }
0x150: {  	v17 =	vadd.f32 $2.000000000e+00, v10;
	(erf) = vpow2.f32 v8;
	v8 =	vmul.f32 v15, v12;
	v12 =	vld.idx.msk [tilespmem:v13+s28+$0x0], $0xffff  }
0x151: {  	vm3 =	vmmov vm3;
	v9 =	vmul.f32 v9, v2;
	v11 =	vmul.f32 v11, v7  }
0x152: {  	s9 =	simm.s32 $0xB540;
	vm5 =	vmmov vm4;
	v2 =	vmax.f32 v2, $0.0e+00;
	(erf) = vrcp.f32 v17  }
0x153: {  	v2 =	vsub.f32 v2, v9;
	v13 =	vld [tilespmem:s9+$0x0];
	v9 =	vmul.f32 v8, v8;
	v11 =	vadd.f32 $6.666666860e-01, v11  }
0x154: {  	vm4 =	vmmov vm1;
	vm6 =	vmmov vm3;
	v15 =	vshll.u32 v14, $0x7  }
0x155: {  	s24 =	simm.s32 $0x50;
	v17 =	vmul.f32 $2.222222240e-01, v9;
	v7 =	vmul.f32 v11, v7;
	v11 =	vand.u32 $0x7FFFFFFF, v12  }
0x156: {  	vm3 =	vmmov vm2;
	v15 =	vadd.s32 s24, v15;
	v11 =	vsub.f32 $0.0e+00, v11  }
0x157: {  	vm2 =	vgt.s32 v14, $0x0;
	v14 =	vadd.s32 v0, v15;
	v15 =	vadd.f32 $2.857142980e-01, v17  }
0x158: {  	vm0 =	vmmov vm0;
	v17 =	vmul.f32 v13, v12;
	v63 =	vadd.f32 $2.000000000e+00, v7  }
0x159: {  	vm1 =	vmmov vm6;
	v7 =	vmax.f32 v12, $0.0e+00;
	v13 =	vmul.f32 v15, v9  }
0x15a: {  	s8 =	sadd.s32 $0x10, s7;
	s20 =	simm.s32 $0x60;
	v15 =	vmul.f32 $1.442695020e+00, v11;
	v7 =	vsub.f32 v7, v17;
	v12 =	vmul.f32 v63, v16;
	v11 =	vpop (erf)  }
.LBB2_7:
0x15b: {  	v17 =	vadd.f32 $2.000000000e+00, v11;
	v18 =	vpop (erf)  }
0x15c: {  	v16 =	vld [tilespmem:s8+$0x0];
	p2 =	sne.s32 s20, $0x70;
	v13 =	vadd.f32 $4.000000060e-01, v13;
	v19 =	vmovc v8;
	vm6 =	vmmov vm0;
	vm0 =	vmmov vm2;
	s7 =	smov.u32 s20;
	s20 =	sadd.s32 $0x10, s20  }
0x15d: {  	v20 =	vld.idx.msk [tilespmem:v14+s28+$0x0], $0xffff;
	(erf) = vpow2.f32 v15;
	v8 =	vmul.f32 v18, v10;
	v18 =	vadd.f32 v12, v6;
	v6 =	vmovc v5  }
0x15e: {  	s9 =	sadd.s32 $0x10, s9;
	v5 =	vmovc v4;
	v4 =	vmovc v2;
	(erf) = vrcp.f32 v17;
	v12 =	vmul.f32 v13, v9;
	v13 =	vsel vm5, $0x3F800000, v1  }
0x15f: {  	v2 =	vmovc v7;
	v10 =	vmovc v11;
	vm5 =	vmmov vm4;
	v15 =	vld [tilespmem:s9+$0x0];
	v14 =	vmul.f32 v8, v8;
	v13 =	vmul.f32 v18, v13  }
0x160: {  	vm4 =	vmmov vm3;
	vm3 =	vmmov vm1;
	v7 =	vadd.f32 $6.666666860e-01, v12  }
0x161: {  	v11 =	vshll.u32 v16, $0x7;
	v12 =	vmul.f32 $2.222222240e-01, v14;
	v3 =	vadd.f32 v13, v3  }
.Ltmp4:
0x162: {  	vm2 =	vgt.s32 v16, $0x0;
	v11 =	vadd.s32 s7, v11;
	v7 =	vmul.f32 v7, v9;
	v9 =	vmovc v14;
	(pc) =	sbr.rel @p2 .LBB2_7-.Ltmp4, $4  }
0x163: {  	v14 =	vadd.s32 v0, v11;
	v11 =	vand.u32 $0x7FFFFFFF, v20;
	v12 =	vadd.f32 $2.857142980e-01, v12  }
0x164: {  	v18 =	vsub.f32 $0.0e+00, v11;
	v16 =	vmul.f32 v15, v20;
	v17 =	vadd.f32 $2.000000000e+00, v7  }
0x165: {  	vm1 =	vmmov vm6;
	v7 =	vmax.f32 v20, $0.0e+00;
	v13 =	vmul.f32 v12, v9  }
0x166: {  	s8 =	sadd.s32 $0x10, s8;
	v15 =	vmul.f32 $1.442695020e+00, v18;
	v7 =	vsub.f32 v7, v16;
	v11 =	vpop (erf);
	v12 =	vmul.f32 v17, v19  }
0x167: {  	_ =	sdelay $0x3  }
0x168: {  	v14 =	vld.idx.msk [tilespmem:v14+s28+$0x0], $0xffff;
	_ =	sdelay $0x4  }
0x169: {  	v16 =	vand.u32 $0x7FFFFFFF, v14  }
0x16a: {  	v16 =	vsub.f32 $0.0e+00, v16  }
0x16b: {  	v17 =	vadd.f32 $2.000000000e+00, v11  }
0x16c: {  	(erf) = vpow2.f32 v15;
	v15 =	vmul.f32 $1.442695020e+00, v16  }
0x16d: {  	(erf) = vrcp.f32 v17  }
0x16e: {  	(erf) = vpow2.f32 v15;
	_ =	sdelay $0x2  }
0x16f: {  	s7 =	sadd.s32 @!p1 $0x6, s15  }
0x170: {  	s8 =	sadd.s32 @!p1 s6, s7  }
0x171: {  	s11 =	sshrl.u32 @!p1 s8, $0x3  }
0x172: {  	s11 =	sadd.s32 @!p1 $0x2D0, s11;
	v15 =	vpop (erf)  }
0x173: {  	s7 =	sshll.u32 @!p1 s7, $0xA;
	s13 =	smul.u32 @!p1 $0x16000, s11;
	v16 =	vpop (erf)  }
0x174: {  	s7 =	sand.u32 @!p1 $0x1800, s7;
	v17 =	vpop (erf)  }
0x175: {  	s13 =	sor.u32 @!p1 s7, s13;
	v18 =	vadd.f32 $2.000000000e+00, v16;
	v19 =	vpop (erf)  }
0x176: {  	s9 =	sadd.s32 $0x10, s9;
	s17 =	simm.s32 @!p1 $0x2000;
	s13 =	sshrl.u32 @!p1 s13, $0x3;
	v20 =	vadd.f32 $2.000000000e+00, v19  }
0x177: {  	s20 =	simm.s32 @!p1 $0x5C00;
	v21 =	vld [tilespmem:s9+$0x0];
	s9 =	simm.s32 @!p1 $0x400;
	s13 =	sadd.s32 @!p1 s2, s13;
	(erf) = vrcp.f32 v18  }
0x178: {  	[tilespmem:s20], [sflag:$0x3] =	stream.strided.gather @!p1 [hbm4b:s13+s9], $0x2800, s17, s9, $0x38;
	(erf) = vrcp.f32 v20;
	[tilespmem:$0xB680] =	vst v63  }
0x179: {  	s9 =	sadd.s32 @!p1 $0x2800, s13;
	s13 =	simm.s32 @!p1 $0x0;
	s17 =	simm.s32 @!p1 $0x8400  }
0x17a: {  	[tilespmem:s17], [sflag:$0x3] =	stream.linear.gather @!p1 [hbm4b:s9+s13], $0x80, $0x38;
	[tilespmem:$0xB680] =	vst v63  }
0x17b: {  	s8 =	sshll.u32 @!p1 s8, $0x4;
	s9 =	sshll.u32 @!p1 s11, $0xA  }
0x17c: {  	s8 =	sand.u32 @!p1 $0x380, s8;
	s9 =	sand.u32 @!p1 $0xFFFFE000, s9  }
0x17d: {  	s8 =	sor.u32 @!p1 s9, s8  }
0x17e: {  	s7 =	sor.u32 @!p1 s7, s8  }
0x17f: {  	v10 =	vmul.f32 v15, v10;
	s7 =	sshrl.u32 @!p1 s7, $0x3  }
0x180: {  	s8 =	simm.s32 @!p1 $0xB500;
	s7 =	sadd.s32 @!p1 s5, s7;
	v15 =	vpop (erf)  }
0x181: {  	v58 =	vmul.f32 v10, v10;
	[tilespmem:s8], [sflag:$0x7] =	stream.linear.gather @!p1 [hbm4b:s7+s13], $0x80, $0x38;
	v20 =	vpop (erf);
	[tilespmem:$0xB680] =	vst v63  }
0x182: {  	_ =	swait.ge [sflag:s4], $0x2880  }
0x183: {  	v22 =	vmul.f32 $2.222222240e-01, v58;
	[sflag:s4] =	ssyncset.done $0x0  }
0x184: {  	v13 =	vadd.f32 $4.000000060e-01, v13;
	v11 =	vmul.f32 v17, v11;
	[sflag:s4] =	ssyncadd.s32 $0xFFFFD780  }
0x185: {  	v22 =	vadd.f32 $2.857142980e-01, v22;
	_ =	swait.ge [sflag:s10], $0x80  }
0x186: {  	v6 =	vadd.f32 v12, v6;
	v12 =	vmul.f32 v13, v9;
	v13 =	vmul.f32 v11, v11;
	[sflag:s10] =	ssyncset.done $0x0  }
0x187: {  	v23 =	vsel vm5, $0x3F800000, v1;
	v17 =	vmul.f32 v22, v58;
	[sflag:s10] =	ssyncadd.s32 $0xFFFFFF80  }
0x188: {  	v6 =	vmul.f32 v6, v23;
	v12 =	vadd.f32 $6.666666860e-01, v12;
	v60 =	vmul.f32 $2.222222240e-01, v13;
	v59 =	vld [tilespmem:s16+$0x0]  }
0x189: {  	v17 =	vadd.f32 $4.000000060e-01, v17  }
0x18a: {  	v3 =	vadd.f32 v6, v3;
	v6 =	vmul.f32 v12, v9;
	v9 =	vadd.f32 $2.857142980e-01, v60  }
0x18b: {  	v17 =	vmul.f32 v17, v58  }
0x18c: {  	vm4 =	vmmov vm4;
	v6 =	vadd.f32 $2.000000000e+00, v6;
	v9 =	vmul.f32 v9, v13  }
0x18d: {  	v12 =	vmul.f32 v21, v14;
	s13 =	simm.s32 $0x0;
	v17 =	vadd.f32 $6.666666860e-01, v17;
	v61 =	vshll.u32 v59, $0x7  }
0x18e: {  	v6 =	vmul.f32 v6, v8;
	v8 =	vadd.f32 $4.000000060e-01, v9;
	v21 =	vadd.s32 s13, v61  }
0x18f: {  	v14 =	vmax.f32 v14, $0.0e+00;
	v17 =	vmul.f32 v17, v58;
	v62 =	vadd.s32 v0, v21  }
0x190: {  	v12 =	vsub.f32 v14, v12;
	v5 =	vadd.f32 v6, v5;
	v6 =	vmul.f32 v8, v13  }
0x191: {  	v9 =	vmul.f32 v15, v16;
	v8 =	vsel vm4, $0x3F800000, v1;
	v14 =	vadd.f32 $2.000000000e+00, v17  }
0x192: {  	v5 =	vmul.f32 v5, v8;
	v6 =	vadd.f32 $6.666666860e-01, v6;
	v8 =	vmul.f32 v20, v19  }
0x193: {  	v10 =	vmul.f32 v14, v10;
	v14 =	vmul.f32 v9, v9  }
0x194: {  	vm3 =	vmmov vm3;
	s17 =	sadd.s32 $0x10, s16;
	v6 =	vmul.f32 v6, v13;
	v16 =	vld.idx.msk [tilespmem:v62+s31+$0x0], $0xffff  }
0x195: {  	v13 =	vmul.f32 v8, v8;
	v4 =	vadd.f32 v10, v4;
	v10 =	vmul.f32 $2.222222240e-01, v14;
	v15 =	vld [tilespmem:s17+$0x0]  }
0x196: {  	vm3 =	vmmov vm3;
	v3 =	vadd.f32 v5, v3  }
0x197: {  	v17 =	vsel vm3, $0x3F800000, v1;
	v5 =	vadd.f32 $2.857142980e-01, v10;
	v10 =	vmul.f32 $2.222222240e-01, v13  }
0x198: {  	v6 =	vadd.f32 $2.000000000e+00, v6;
	v4 =	vmul.f32 v4, v17  }
0x199: {  	v5 =	vmul.f32 v5, v14;
	v10 =	vadd.f32 $2.857142980e-01, v10;
	v18 =	vand.u32 $0x7FFFFFFF, v16  }
0x19a: {  	s20 =	simm.s32 $0x10;
	v3 =	vadd.f32 v4, v3;
	v17 =	vshll.u32 v15, $0x7;
	v18 =	vsub.f32 $0.0e+00, v18  }
0x19b: {  	v4 =	vmul.f32 v6, v11;
	v5 =	vadd.f32 $4.000000060e-01, v5;
	v17 =	vadd.s32 s20, v17  }
0x19c: {  	v6 =	vmul.f32 v10, v13;
	v17 =	vadd.s32 v0, v17;
	v10 =	vmul.f32 $1.442695020e+00, v18  }
0x19d: {  	s7 =	sadd.s32 $0x10, s17;
	v5 =	vmul.f32 v5, v14  }
0x19e: {  	v6 =	vadd.f32 $4.000000060e-01, v6;
	(erf) = vpow2.f32 v10;
	v10 =	vld [tilespmem:s7+$0x0]  }
0x19f: {  	v5 =	vadd.f32 $6.666666860e-01, v5  }
0x1a0: {  	v6 =	vmul.f32 v6, v13  }
0x1a1: {  	vm0 =	vmmov vm0;
	vm2 =	vmmov vm2;
	v5 =	vmul.f32 v5, v14;
	v11 =	vld.idx.msk [tilespmem:v17+s31+$0x0], $0xffff  }
0x1a2: {  	vm1 =	vmmov vm1;
	v2 =	vadd.f32 v4, v2;
	v4 =	vadd.f32 $6.666666860e-01, v6  }
0x1a3: {  	s24 =	simm.s32 $0x20;
	vm0 =	vmmov vm0;
	v5 =	vadd.f32 $2.000000000e+00, v5;
	v14 =	vshll.u32 v10, $0x7  }
0x1a4: {  	vm2 =	vmmov vm2;
	v4 =	vmul.f32 v4, v13;
	v13 =	vadd.s32 s24, v14  }
0x1a5: {  	vm1 =	vmmov vm1;
	v5 =	vmul.f32 v5, v9;
	v9 =	vadd.s32 v0, v13  }
0x1a6: {  	vm0 =	vmmov vm0;
	vm1 =	vmmov vm1;
	v14 =	vand.u32 $0x7FFFFFFF, v11  }
0x1a7: {  	vm2 =	vmmov vm2;
	v6 =	vsel vm1, $0x3F800000, v1;
	v13 =	vsub.f32 $0.0e+00, v14  }
0x1a8: {  	vm0 =	vmmov vm0;
	vm2 =	vmmov vm2;
	v2 =	vmul.f32 v2, v6  }
0x1a9: {  	v4 =	vadd.f32 $2.000000000e+00, v4;
	v5 =	vadd.f32 v5, v7;
	v6 =	vmul.f32 $1.442695020e+00, v13;
	v7 =	vpop (erf)  }
0x1aa: {  	vm0 =	vmmov vm0;
	s9 =	simm.s32 $0xB580;
	vm1 =	vmmov vm2;
	v14 =	vadd.f32 $2.000000000e+00, v7;
	v9 =	vld.idx.msk [tilespmem:v9+s31+$0x0], $0xffff  }
0x1ab: {  	v4 =	vmul.f32 v4, v8;
	v8 =	vld [tilespmem:s9+$0x0];
	s7 =	sadd.s32 $0x10, s7;
	v13 =	vsel vm0, $0x3F800000, v1;
	(erf) = vpow2.f32 v6  }
0x1ac: {  	v2 =	vadd.f32 v2, v3;
	v3 =	vmul.f32 v5, v13;
	v13 =	vld [tilespmem:s7+$0x0];
	(erf) = vrcp.f32 v14  }
0x1ad: {  	v4 =	vadd.f32 v4, v12;
	vm0 =	vmmov vm1  }
0x1ae: {  	v5 =	vsel vm0, $0x3F800000, v1  }
0x1af: {  	v2 =	vadd.f32 v3, v2;
	v3 =	vmul.f32 v4, v5;
	v6 =	vand.u32 $0x7FFFFFFF, v9  }
0x1b0: {  	s11 =	simm.s32 $0xB590;
	v12 =	vsub.f32 $0.0e+00, v6  }
0x1b1: {  	s13 =	simm.s32 $0x30;
	v5 =	vmul.f32 v8, v16;
	v3 =	vadd.f32 v3, v2;
	v2 =	vld [tilespmem:s11+$0x0];
	v4 =	vshll.u32 v13, $0x7  }
0x1b2: {  	s16 =	simm.s32 $0xB5A0;
	v8 =	vmax.f32 v16, $0.0e+00;
	v4 =	vadd.s32 s13, v4  }
0x1b3: {  	vm2 =	vgt.s32 v10, $0x0;
	v4 =	vadd.s32 v0, v4;
	v6 =	vsub.f32 v8, v5;
	v8 =	vld [tilespmem:s16+$0x0]  }
0x1b4: {  	vm2 =	vmmov vm2;
	s7 =	sadd.s32 $0x10, s7;
	v5 =	vmul.f32 $1.442695020e+00, v12;
	v12 =	vpop (erf)  }
0x1b5: {  	vm2 =	vmmov vm2;
	vm1 =	vgt.s32 v15, $0x0;
	vm0 =	vgt.s32 v59, $0x0;
	v15 =	vld [tilespmem:s7+$0x0];
	v14 =	vpop (erf)  }
0x1b6: {  	vm1 =	vmmov vm1;
	v2 =	vmul.f32 v2, v11;
	v16 =	vmul.f32 v14, v7  }
0x1b7: {  	v11 =	vmax.f32 v11, $0.0e+00;
	(erf) = vpow2.f32 v5;
	v10 =	vadd.f32 $2.000000000e+00, v12  }
0x1b8: {  	v5 =	vsub.f32 v11, v2;
	v4 =	vld.idx.msk [tilespmem:v4+s31+$0x0], $0xffff;
	v2 =	vmul.f32 v8, v9;
	v7 =	vmul.f32 v16, v16  }
0x1b9: {  	vm0 =	vmmov vm0;
	v8 =	vmax.f32 v9, $0.0e+00;
	(erf) = vrcp.f32 v10  }
0x1ba: {  	s20 =	simm.s32 $0x40;
	v2 =	vsub.f32 v8, v2;
	v8 =	vshll.u32 v15, $0x7;
	v10 =	vmul.f32 $2.222222240e-01, v7  }
0x1bb: {  	s17 =	simm.s32 $0xB5B0;
	vm1 =	vmmov vm1;
	vm0 =	vmmov vm0;
	v8 =	vadd.s32 s20, v8  }
0x1bc: {  	vm3 =	vgt.s32 v13, $0x0;
	v9 =	vld [tilespmem:s17+$0x0];
	v13 =	vadd.s32 v0, v8;
	v10 =	vadd.f32 $2.857142980e-01, v10  }
0x1bd: {  	vm1 =	vmmov vm1;
	vm0 =	vmmov vm0;
	v11 =	vand.u32 $0x7FFFFFFF, v4  }
0x1be: {  	vm1 =	vmmov vm1;
	v8 =	vsub.f32 $0.0e+00, v11;
	v11 =	vmul.f32 v10, v7  }
0x1bf: {  	vm6 =	vmmov vm2;
	s7 =	sadd.s32 $0x10, s7;
	vm0 =	vmmov vm0;
	vm2 =	vmmov vm1  }
0x1c0: {  	vm1 =	vmmov vm6;
	v14 =	vld [tilespmem:s7+$0x0];
	v8 =	vmul.f32 $1.442695020e+00, v8;
	v10 =	vpop (erf);
	v11 =	vadd.f32 $4.000000060e-01, v11  }
0x1c1: {  	vm4 =	vmmov vm0;
	v9 =	vmul.f32 v9, v4;
	v13 =	vld.idx.msk [tilespmem:v13+s31+$0x0], $0xffff;
	v17 =	vadd.f32 $2.000000000e+00, v10  }
0x1c2: {  	vm0 =	vgt.s32 v15, $0x0;
	v15 =	vpop (erf);
	(erf) = vpow2.f32 v8;
	v11 =	vmul.f32 v11, v7  }
0x1c3: {  	s9 =	simm.s32 $0xB5C0;
	vm3 =	vmmov vm3;
	v8 =	vmul.f32 v15, v12;
	(erf) = vrcp.f32 v17  }
0x1c4: {  	vm5 =	vmmov vm4;
	v4 =	vmax.f32 v4, $0.0e+00;
	v15 =	vld [tilespmem:s9+$0x0];
	v11 =	vadd.f32 $6.666666860e-01, v11  }
0x1c5: {  	vm3 =	vmmov vm3;
	v4 =	vsub.f32 v4, v9;
	v9 =	vmul.f32 v8, v8  }
0x1c6: {  	s24 =	simm.s32 $0x50;
	v12 =	vshll.u32 v14, $0x7;
	v7 =	vmul.f32 v11, v7;
	v11 =	vand.u32 $0x7FFFFFFF, v13  }
0x1c7: {  	v12 =	vadd.s32 s24, v12;
	v17 =	vmul.f32 $2.222222240e-01, v9;
	v11 =	vsub.f32 $0.0e+00, v11  }
0x1c8: {  	vm0 =	vmmov vm0;
	vm4 =	vgt.s32 v14, $0x0;
	v12 =	vadd.s32 v0, v12  }
0x1c9: {  	v14 =	vadd.f32 $2.857142980e-01, v17;
	v17 =	vmul.f32 v15, v13;
	v63 =	vadd.f32 $2.000000000e+00, v7  }
0x1ca: {  	vm3 =	vmmov vm3;
	v7 =	vmax.f32 v13, $0.0e+00;
	v15 =	vmul.f32 $1.442695020e+00, v11  }
0x1cb: {  	s8 =	sadd.s32 $0x10, s7;
	s16 =	simm.s32 $0x60;
	v14 =	vmul.f32 v14, v9;
	v7 =	vsub.f32 v7, v17;
	v13 =	vmul.f32 v63, v16;
	v11 =	vpop (erf)  }
.LBB2_9:
0x1cc: {  	v17 =	vadd.f32 $2.000000000e+00, v11;
	v18 =	vpop (erf)  }
0x1cd: {  	v16 =	vld [tilespmem:s8+$0x0];
	p2 =	sne.s32 s16, $0x70;
	v14 =	vadd.f32 $4.000000060e-01, v14;
	v19 =	vmovc v8;
	vm6 =	vmmov vm0;
	vm0 =	vmmov vm4;
	s7 =	smov.u32 s16;
	s16 =	sadd.s32 $0x10, s16  }
0x1ce: {  	v20 =	vld.idx.msk [tilespmem:v12+s31+$0x0], $0xffff;
	(erf) = vpow2.f32 v15;
	v8 =	vmul.f32 v18, v10;
	v18 =	vadd.f32 v13, v6;
	v6 =	vmovc v5  }
0x1cf: {  	s9 =	sadd.s32 $0x10, s9;
	v13 =	vsel vm5, $0x3F800000, v1;
	v5 =	vmovc v2;
	v2 =	vmovc v4;
	(erf) = vrcp.f32 v17;
	v12 =	vmul.f32 v14, v9  }
0x1d0: {  	v4 =	vmovc v7;
	v10 =	vmovc v11;
	vm5 =	vmmov vm2;
	v14 =	vld [tilespmem:s9+$0x0];
	v15 =	vmul.f32 v8, v8;
	v13 =	vmul.f32 v18, v13  }
0x1d1: {  	vm2 =	vmmov vm1;
	vm1 =	vmmov vm3;
	v7 =	vadd.f32 $6.666666860e-01, v12  }
0x1d2: {  	v11 =	vshll.u32 v16, $0x7;
	v17 =	vmul.f32 $2.222222240e-01, v15;
	v3 =	vadd.f32 v13, v3  }
.Ltmp5:
0x1d3: {  	vm4 =	vgt.s32 v16, $0x0;
	v11 =	vadd.s32 s7, v11;
	v7 =	vmul.f32 v7, v9;
	v9 =	vmovc v15;
	(pc) =	sbr.rel @p2 .LBB2_9-.Ltmp5, $4  }
0x1d4: {  	v12 =	vadd.s32 v0, v11;
	v11 =	vand.u32 $0x7FFFFFFF, v20;
	v13 =	vadd.f32 $2.857142980e-01, v17  }
0x1d5: {  	v18 =	vsub.f32 $0.0e+00, v11;
	v16 =	vmul.f32 v14, v20;
	v17 =	vadd.f32 $2.000000000e+00, v7  }
0x1d6: {  	vm3 =	vmmov vm6;
	v7 =	vmax.f32 v20, $0.0e+00;
	v14 =	vmul.f32 v13, v9  }
0x1d7: {  	s8 =	sadd.s32 $0x10, s8;
	v15 =	vmul.f32 $1.442695020e+00, v18;
	v7 =	vsub.f32 v7, v16;
	v11 =	vpop (erf);
	v13 =	vmul.f32 v17, v19  }
0x1d8: {  	_ =	sdelay $0x3  }
0x1d9: {  	v12 =	vld.idx.msk [tilespmem:v12+s31+$0x0], $0xffff;
	_ =	sdelay $0x4  }
0x1da: {  	v16 =	vand.u32 $0x7FFFFFFF, v12  }
0x1db: {  	v16 =	vsub.f32 $0.0e+00, v16  }
0x1dc: {  	v17 =	vadd.f32 $2.000000000e+00, v11  }
0x1dd: {  	(erf) = vpow2.f32 v15;
	v31 =	vmul.f32 $1.442695020e+00, v16  }
0x1de: {  	(erf) = vrcp.f32 v17  }
0x1df: {  	(erf) = vpow2.f32 v31;
	_ =	sdelay $0x5  }
0x1e0: {  	v32 =	vpop (erf)  }
0x1e1: {  	v33 =	vpop (erf)  }
0x1e2: {  	v34 =	vadd.f32 $2.000000000e+00, v33;
	v18 =	vpop (erf)  }
0x1e3: {  	v19 =	vpop (erf)  }
0x1e4: {  	(erf) = vrcp.f32 v34;
	v35 =	vadd.f32 $2.000000000e+00, v19;
	_ =	sdelay $0x1  }
0x1e5: {  	(erf) = vrcp.f32 v35;
	_ =	sdelay $0x1  }
0x1e6: {  	v14 =	vadd.f32 $4.000000060e-01, v14  }
0x1e7: {  	v39 =	vsel vm5, $0x3F800000, v1;
	v10 =	vmul.f32 v32, v10  }
0x1e8: {  	vm2 =	vmmov vm2;
	vm0 =	vmmov vm0;
	v14 =	vmul.f32 v14, v9  }
0x1e9: {  	s7 =	sadd.s32 $0x10, s9;
	vm12 =	vmmov vm4;
	v38 =	vmul.f32 v10, v10;
	v36 =	vmul.f32 v18, v11  }
0x1ea: {  	vm1 =	vmmov vm1;
	vm3 =	vmmov vm3;
	v37 =	vld [tilespmem:s7+$0x0];
	v6 =	vadd.f32 v13, v6  }
0x1eb: {  	v14 =	vadd.f32 $6.666666860e-01, v14;
	v20 =	vmul.f32 $2.222222240e-01, v38;
	v18 =	vmul.f32 v36, v36;
	v43 =	vpop (erf)  }
0x1ec: {  	v54 =	vsel vm2, $0x3F800000, v1;
	v6 =	vmul.f32 v6, v39;
	v45 =	vmul.f32 v43, v33  }
0x1ed: {  	v40 =	vmul.f32 v14, v9;
	v41 =	vadd.f32 $2.857142980e-01, v20;
	v21 =	vmul.f32 $2.222222240e-01, v18;
	v46 =	vpop (erf)  }
0x1ee: {  	v3 =	vadd.f32 v6, v3;
	v47 =	vmul.f32 v45, v45;
	v16 =	vmul.f32 v46, v19  }
0x1ef: {  	v44 =	vmul.f32 v37, v12;
	v13 =	vmul.f32 v41, v38;
	v42 =	vadd.f32 $2.857142980e-01, v21  }
0x1f0: {  	v9 =	vadd.f32 $2.000000000e+00, v40;
	v50 =	vmul.f32 $2.222222240e-01, v47;
	v51 =	vmul.f32 v16, v16  }
0x1f1: {  	v12 =	vmax.f32 v12, $0.0e+00;
	v48 =	vadd.f32 $4.000000060e-01, v13;
	v14 =	vmul.f32 v42, v18  }
0x1f2: {  	v8 =	vmul.f32 v9, v8;
	v52 =	vadd.f32 $2.857142980e-01, v50;
	v53 =	vmul.f32 $2.222222240e-01, v51  }
0x1f3: {  	v6 =	vsub.f32 v12, v44;
	v9 =	vmul.f32 v48, v38;
	v49 =	vadd.f32 $4.000000060e-01, v14  }
0x1f4: {  	v5 =	vadd.f32 v8, v5;
	v8 =	vmul.f32 v52, v47;
	v12 =	vadd.f32 $2.857142980e-01, v53  }
0x1f5: {  	vm0 =	vmmov vm0;
	v9 =	vadd.f32 $6.666666860e-01, v9;
	v13 =	vmul.f32 v49, v18  }
0x1f6: {  	vm2 =	vmmov vm12;
	v8 =	vadd.f32 $4.000000060e-01, v8;
	v12 =	vmul.f32 v12, v51  }
0x1f7: {  	vm1 =	vmmov vm1;
	v9 =	vmul.f32 v9, v38;
	v13 =	vadd.f32 $6.666666860e-01, v13  }
0x1f8: {  	vm3 =	vmmov vm3;
	v8 =	vmul.f32 v8, v47;
	v12 =	vadd.f32 $4.000000060e-01, v12  }
0x1f9: {  	vm0 =	vmmov vm0;
	v9 =	vadd.f32 $2.000000000e+00, v9;
	v13 =	vmul.f32 v13, v18  }
0x1fa: {  	vm2 =	vmmov vm2;
	v8 =	vadd.f32 $6.666666860e-01, v8;
	v55 =	vmul.f32 v12, v51  }
0x1fb: {  	v5 =	vmul.f32 v5, v54;
	v9 =	vmul.f32 v9, v10;
	v56 =	vadd.f32 $2.000000000e+00, v13  }
0x1fc: {  	v58 =	vsel vm1, $0x3F800000, v1;
	v8 =	vmul.f32 v8, v47;
	v57 =	vadd.f32 $6.666666860e-01, v55  }
0x1fd: {  	v3 =	vadd.f32 v5, v3;
	v2 =	vadd.f32 v9, v2;
	v5 =	vmul.f32 v56, v36  }
0x1fe: {  	vm13 =	vmmov vm3;
	v8 =	vadd.f32 $2.000000000e+00, v8;
	v9 =	vmul.f32 v57, v51  }
0x1ff: {  	vm0 =	vmmov vm0;
	v2 =	vmul.f32 v2, v58;
	v4 =	vadd.f32 v5, v4  }
0x200: {  	v59 =	vsel vm13, $0x3F800000, v1;
	v8 =	vmul.f32 v8, v45;
	v9 =	vadd.f32 $2.000000000e+00, v9  }
0x201: {  	vm14 =	vmmov vm2;
	v2 =	vadd.f32 v2, v3;
	v3 =	vmul.f32 v4, v59  }
0x202: {  	vm0 =	vmmov vm0;
	v60 =	vadd.f32 v8, v7;
	v61 =	vmul.f32 v9, v16  }
0x203: {  	vm1 =	vmmov vm14;
	v2 =	vadd.f32 v3, v2;
	v3 =	vsel vm0, $0x3F800000, v1  }
0x204: {  	vm15 =	vmmov vm1;
	v3 =	vmul.f32 v60, v3;
	v62 =	vadd.f32 v61, v6  }
.Ltmp6:
0x205: {  	v63 =	vsel vm15, $0x3F800000, v1;
	(pc) =	sbr.rel @p1 .LBB2_12-.Ltmp6, $2  }
0x206: {  	v2 =	vadd.f32 v3, v2;
	v3 =	vmul.f32 v62, v63;
	_ =	sdelay $0x1  }
0x207: {  	v2 =	vadd.f32 v3, v2;
	_ =	sdelay $0x1  }
0x208: {  	s7 =	sadd.s32 $0x7, s15  }
0x209: {  	s8 =	sadd.s32 s6, s7  }
0x20a: {  	s9 =	sshrl.u32 s8, $0x3  }
0x20b: {  	s9 =	sadd.s32 $0x2D0, s9  }
0x20c: {  	s7 =	sshll.u32 s7, $0xA;
	s11 =	smul.u32 $0x16000, s9  }
0x20d: {  	s7 =	sand.u32 $0x1C00, s7  }
0x20e: {  	s8 =	sshll.u32 s8, $0x4;
	s9 =	sshll.u32 s9, $0xA;
	s11 =	sor.u32 s7, s11  }
0x20f: {  	s8 =	sand.u32 $0x380, s8;
	s9 =	sand.u32 $0xFFFFE000, s9;
	s11 =	sshrl.u32 s11, $0x3  }
0x210: {  	s8 =	sor.u32 s9, s8;
	s11 =	sadd.s32 s2, s11  }
0x211: {  	[tilespmem:s31], [sflag:$0x4] =	stream.strided.gather [hbm4b:s11+s19], $0x2800, s18, s19, $0x38;
	[tilespmem:$0xB680] =	vst v63  }
.Ltmp7:
0x212: {  	s7 =	sor.u32 s7, s8;
	(pc) =	sbr.rel .LBB2_2-.Ltmp7, $4  }
0x213: {  	s7 =	sshrl.u32 s7, $0x3;
	s11 =	sadd.s32 $0x2800, s11  }
0x214: {  	[tilespmem:s0], [sflag:$0x4] =	stream.linear.gather [hbm4b:s11+s3], $0x80, $0x38;
	[tilespmem:$0xB680] =	vst v63  }
0x215: {  	s14 =	sadd.s32 $0x1, s14;
	p0 =	por !p0, !p0;
	s7 =	sadd.s32 s5, s7  }
0x216: {  	[tilespmem:s1], [sflag:$0x8] =	stream.linear.gather [hbm4b:s7+s3], $0x80, $0x38;
	[tilespmem:$0xB680] =	vst v63  }
.LBB2_13:
0x217: {  	_ =	sfence.sel $0x180000  }
0x218: {  	[bflag:$0x0] =	sbarrier.arrive $0xFFFF  }
0x219: {  	_ =	strace $0x90000047  }
0x21a: {  	s0 =	stileid.u32;
	[bflag:$0x2] =	sbarrier.arrive $0xFFFF  }
0x21b: {  	p0 =	sne.s32 s0, $0x0;
	s0 =	rddreg [dreg:$0x2]  }
0x21c: {  	s0 =	sadd.s32 @!p0 $0x100000, s0  }
0x21d: {  	[sflag:s0] =	ssyncadd.tile.s32 @!p0 $0x1;
	_ =	shalt  }
.Lfunc_end2:
_tile_overlayer_lowered:
.L_overlay_start_2:
0x21e: {  	(tag) =	ssettag $0x2  }
0x21f: {  	s0 =	rddreg [dreg:$0x0];
	s2 =	stileid.u32  }
0x220: {  	s1 =	rddreg [dreg:$0x1];
	p0 =	sne.s32 s2, $0x0  }
0x221: {  	s3 =	rddreg [dreg:$0x2];
	[bflag:$0x3] =	sbarrier.arrive $0xFFFF;
	s2 =	simm.s32 @!p0 $0x1C09  }
0x222: {  	[timem:s3], [sflag:s2] =	dma.local @!p0 [hbm:s0], s1  }
0x223: {  	s0 =	simm.s32 @!p0 $0x9  }
0x224: {  	_ =	swait.ge @!p0 [sflag:s0], s1  }
0x225: {  	s1 =	ssub.s32 @!p0 $0x0, s1;
	[sflag:s0] =	ssyncset.done @!p0 $0x0  }
0x226: {  	[sflag:s0] =	ssyncadd.s32 @!p0 s1  }
0x227: {  	[bflag:$0x3] =	sbarrier.arrive $0xFFFF  }
0x228: {  	_ =	shalt  }

</sc_bundles>
